<compile_context>
chip_gen: v7x
topology: tpu7x:2x2x1
jax: 0.10.2.dev20260603
libtpu: 0.0.44.dev20260713+nightly
codegen_flags: <defaults>
</compile_context>

<pallas_src>
import functools

import jax
import jax.numpy as jnp
from jax import lax
from jax.experimental import pallas as pl
from jax.experimental.pallas import tpu as pltpu
from jax.experimental.pallas import tpu_sc as plsc

_NC = 2
_NS = 16
_L = 16
_NW = _NC * _NS


def _forward_process_sc(t, table_a, table_b, x_0, noise):
    B, C, L = x_0.shape
    T = table_a.shape[0]
    per_w = B // _NW

    mesh = plsc.VectorSubcoreMesh(core_axis_name="c", subcore_axis_name="s")

    @functools.partial(
        pl.kernel,
        out_type=[
            jax.ShapeDtypeStruct((B, C, L), jnp.float32),
            jax.ShapeDtypeStruct((B, C, L), jnp.float32),
        ],
        mesh=mesh,
        compiler_params=pltpu.CompilerParams(
            needs_layout_passes=False, use_tc_tiling_on_sc=True),
        scratch_types=[
            pltpu.VMEM((per_w,), jnp.int32),
            pltpu.VMEM((T,), jnp.float32),
            pltpu.VMEM((T,), jnp.float32),
            pltpu.VMEM((per_w,), jnp.float32),
            pltpu.VMEM((per_w,), jnp.float32),
            pltpu.VMEM((1, C, L), jnp.float32),
            pltpu.VMEM((1, C, L), jnp.float32),
            pltpu.VMEM((1, C, L), jnp.float32),
            pltpu.VMEM((1, C, L), jnp.float32),
            pltpu.VMEM((1, C, L), jnp.float32),
            pltpu.VMEM((1, C, L), jnp.float32),
            pltpu.SemaphoreType.DMA,
            pltpu.SemaphoreType.DMA,
            pltpu.SemaphoreType.DMA,
            pltpu.SemaphoreType.DMA,
            pltpu.SemaphoreType.DMA,
            pltpu.SemaphoreType.DMA,
            pltpu.SemaphoreType.DMA,
            pltpu.SemaphoreType.DMA,
        ],
    )
    def sc_kernel(t_hbm, a_hbm, b_hbm, x_hbm, n_hbm, out_hbm, nout_hbm,
                  idx_v, at_v, bt_v, ca_v, cb_v,
                  xv0, xv1, nv0, nv1, ov0, ov1,
                  sx0, sx1, sn0, sn1, so0, so1, sno0, sno1):
        wid = lax.axis_index("s") * _NC + lax.axis_index("c")
        base = wid * per_w

        pltpu.sync_copy(t_hbm.at[pl.ds(base, per_w)], idx_v)
        pltpu.sync_copy(a_hbm, at_v)
        pltpu.sync_copy(b_hbm, bt_v)
        for i in range(per_w // _L):
            sl = pl.ds(i * _L, _L)
            iv = idx_v[sl]
            ca_v[sl] = plsc.load_gather(at_v, [iv])
            cb_v[sl] = plsc.load_gather(bt_v, [iv])

        def in_start(r, xv, nv, sx, sn):
            src = x_hbm.at[pl.ds(base + r, 1)]
            pltpu.make_async_copy(src, xv, sx).start()
            src = n_hbm.at[pl.ds(base + r, 1)]
            pltpu.make_async_copy(src, nv, sn).start()

        def in_wait(r, xv, nv, sx, sn):
            src = x_hbm.at[pl.ds(base + r, 1)]
            pltpu.make_async_copy(src, xv, sx).wait()
            src = n_hbm.at[pl.ds(base + r, 1)]
            pltpu.make_async_copy(src, nv, sn).wait()

        def out_start(r, ov, so):
            dst = out_hbm.at[pl.ds(base + r, 1)]
            pltpu.make_async_copy(ov, dst, so).start()

        def out_wait(r, ov, so):
            dst = out_hbm.at[pl.ds(base + r, 1)]
            pltpu.make_async_copy(ov, dst, so).wait()

        def nout_start(r, nv, sno):
            dst = nout_hbm.at[pl.ds(base + r, 1)]
            pltpu.make_async_copy(nv, dst, sno).start()

        def nout_wait(r, nv, sno):
            dst = nout_hbm.at[pl.ds(base + r, 1)]
            pltpu.make_async_copy(nv, dst, sno).wait()

        def compute(r, xv, nv, ov):
            iv = jnp.full((_L,), r, jnp.int32)
            asp = plsc.load_gather(ca_v, [iv])
            bsp = plsc.load_gather(cb_v, [iv])

            @plsc.parallel_loop(0, C)
            def _srow(i):
                @plsc.parallel_loop(0, L // _L, unroll=8)
                def _schunk(j):
                    sl = pl.ds(j * _L, _L)
                    ov[0, i, sl] = asp * xv[0, i, sl] + bsp * nv[0, i, sl]

        n_iter = per_w // 2
        in_start(0, xv0, nv0, sx0, sn0)
        in_start(1, xv1, nv1, sx1, sn1)

        def ring_body(i, carry):
            r0 = 2 * i
            r1 = r0 + 1

            in_wait(r0, xv0, nv0, sx0, sn0)
            nout_start(r0, nv0, sno0)

            @pl.when(i > 0)
            def _():
                out_wait(r0 - 2, ov0, so0)

            compute(r0, xv0, nv0, ov0)
            out_start(r0, ov0, so0)

            @pl.when(i < n_iter - 1)
            def _():
                nout_wait(r0, nv0, sno0)
                in_start(r0 + 2, xv0, nv0, sx0, sn0)

            in_wait(r1, xv1, nv1, sx1, sn1)
            nout_start(r1, nv1, sno1)

            @pl.when(i > 0)
            def _():
                out_wait(r1 - 2, ov1, so1)

            compute(r1, xv1, nv1, ov1)
            out_start(r1, ov1, so1)

            @pl.when(i < n_iter - 1)
            def _():
                nout_wait(r1, nv1, sno1)
                in_start(r1 + 2, xv1, nv1, sx1, sn1)

            return carry

        lax.fori_loop(0, n_iter, ring_body, 0)
        out_wait(per_w - 2, ov0, so0)
        out_wait(per_w - 1, ov1, so1)
        nout_wait(per_w - 2, nv0, sno0)
        nout_wait(per_w - 1, nv1, sno1)

    return sc_kernel(t, table_a, table_b, x_0, noise)


def kernel(x_0, t, sqrt_alphas_cumprod, sqrt_one_minus_alphas_cumprod, noise):
    xt, nout = _forward_process_sc(
        t, sqrt_alphas_cumprod, sqrt_one_minus_alphas_cumprod, x_0, noise)
    return (xt, nout)

# --- scband reference (transcript-rebuilt; emitter-appended) ---
"""Pipeline reference for scband-forward-process-62397284876451 (READ-ONLY COPY).

The authoritative reference and input builder live on the scoring server;
editing this copy changes nothing except your own understanding.
"""

import jax, jax.numpy as jnp
import numpy as np

T = 1000
START = 0.0001
END = 0.02


def setup_inputs(seed: int = 0) -> dict:
    key = jax.random.key(seed)
    k1, k2, k3 = jax.random.split(key, 3)
    B, C, L = 2048, 32, 512
    x_0 = jax.random.normal(k1, (B, C, L), dtype=jnp.float32)
    t = jax.random.randint(k2, (B,), 0, T, dtype=jnp.int32)
    # buffers from __init__
    betas = jnp.linspace(START, END, T, dtype=jnp.float32)
    alphas = 1.0 - betas
    alphas_cumprod = jnp.cumprod(alphas)
    sqrt_alphas_cumprod = jnp.sqrt(alphas_cumprod)
    sqrt_one_minus_alphas_cumprod = jnp.sqrt(1.0 - alphas_cumprod)
    # torch.randn_like inside forward -> deterministic noise tensor here
    noise = jax.random.normal(k3, (B, C, L), dtype=jnp.float32)
    return {
        "x_0": x_0,
        "t": t,
        "sqrt_alphas_cumprod": sqrt_alphas_cumprod,
        "sqrt_one_minus_alphas_cumprod": sqrt_one_minus_alphas_cumprod,
        "noise": noise,
    }


def reference(x_0, t, sqrt_alphas_cumprod, sqrt_one_minus_alphas_cumprod, noise):
    # get_index_from_list: gather schedule values at t, reshape to (B,1,1)
    B = t.shape[0]
    sqrt_alphas_cumprod_t = jnp.take(sqrt_alphas_cumprod, t, axis=0).reshape(B, 1, 1)
    sqrt_one_minus_alphas_cumprod_t = jnp.take(sqrt_one_minus_alphas_cumprod, t, axis=0).reshape(B, 1, 1)
    x_t = sqrt_alphas_cumprod_t * x_0 + sqrt_one_minus_alphas_cumprod_t * noise
    return (x_t, noise)

if __name__ == "__main__":
    import jax
    _d = setup_inputs()
    print(jax.jit(kernel)(*tuple(_d.values())))

</pallas_src>

<mosaic_0001>
#map = affine_map<(d0, d1) -> (0)>
#map1 = affine_map<(d0, d1) -> (0, 0, 0)>
module attributes {stable_mosaic.version = 14 : i64} {
  func.func @sc_kernel(%arg0: i32, %arg1: i32, %arg2: memref<2048xi32, #tpu.memory_space<hbm>>, %arg3: memref<1000xf32, #tpu.memory_space<hbm>>, %arg4: memref<1000xf32, #tpu.memory_space<hbm>>, %arg5: memref<2048x32x512xf32, #tpu.memory_space<hbm>>, %arg6: memref<2048x32x512xf32, #tpu.memory_space<hbm>>, %arg7: memref<2048x32x512xf32, #tpu.memory_space<hbm>>, %arg8: memref<2048x32x512xf32, #tpu.memory_space<hbm>>, %arg9: memref<64xi32, #tpu.memory_space<vmem>>, %arg10: memref<1000xf32, #tpu.memory_space<vmem>>, %arg11: memref<1000xf32, #tpu.memory_space<vmem>>, %arg12: memref<64xf32, #tpu.memory_space<vmem>>, %arg13: memref<64xf32, #tpu.memory_space<vmem>>, %arg14: memref<1x32x512xf32, #tpu.memory_space<vmem>>, %arg15: memref<1x32x512xf32, #tpu.memory_space<vmem>>, %arg16: memref<1x32x512xf32, #tpu.memory_space<vmem>>, %arg17: memref<1x32x512xf32, #tpu.memory_space<vmem>>, %arg18: memref<1x32x512xf32, #tpu.memory_space<vmem>>, %arg19: memref<1x32x512xf32, #tpu.memory_space<vmem>>, %arg20: memref<!tpu.dma_semaphore, #tpu.memory_space<semaphore_mem>>, %arg21: memref<!tpu.dma_semaphore, #tpu.memory_space<semaphore_mem>>, %arg22: memref<!tpu.dma_semaphore, #tpu.memory_space<semaphore_mem>>, %arg23: memref<!tpu.dma_semaphore, #tpu.memory_space<semaphore_mem>>, %arg24: memref<!tpu.dma_semaphore, #tpu.memory_space<semaphore_mem>>, %arg25: memref<!tpu.dma_semaphore, #tpu.memory_space<semaphore_mem>>, %arg26: memref<!tpu.dma_semaphore, #tpu.memory_space<semaphore_mem>>, %arg27: memref<!tpu.dma_semaphore, #tpu.memory_space<semaphore_mem>>) attributes {dimension_semantics = [#tpu.dimension_semantics<core_parallel>, #tpu.dimension_semantics<subcore_parallel>], iteration_bounds = array<i64: 2, 16>, scalar_prefetch = 0 : i64, scratch_operands = 19 : i64, tpu.core_type = #tpu.core_type<sc_vector_subcore>, window_params = [{transform_indices = #map}, {transform_indices = #map}, {transform_indices = #map}, {transform_indices = #map1}, {transform_indices = #map1}, {transform_indices = #map1}, {transform_indices = #map1}]} {
    %mul3A = arith.constant 2 : i32
    %mul3A_0 = arith.muli %arg1, %mul3A : i32
    %add3A = arith.addi %mul3A_0, %arg0 : i32
    %mul3A_1 = arith.constant 64 : i32
    %mul3A_2 = arith.muli %add3A, %mul3A_1 : i32
    "tpu.region"() ({
      %run_scoped3A = tpu.sem_alloc : memref<!tpu.dma_semaphore, #tpu.memory_space<semaphore_mem>>
      %dma_start3A_99 = tpu.memref_slice %arg2[%mul3A_2] : memref<2048xi32, #tpu.memory_space<hbm>> -> memref<64xi32, #tpu.memory_space<hbm>>
      %dma_start3A_100 = tpu.memref_slice %arg2[%mul3A_2] : memref<2048xi32, #tpu.memory_space<hbm>> -> memref<64xi32, #tpu.memory_space<hbm>>
      tpu.enqueue_dma source(%dma_start3A_100 : memref<64xi32, #tpu.memory_space<hbm>>) target(%arg9 : memref<64xi32, #tpu.memory_space<vmem>>) target_semaphore(%run_scoped3A : memref<!tpu.dma_semaphore, #tpu.memory_space<semaphore_mem>>)
      %dma_wait3A_101 = tpu.memref_slice %arg2[%mul3A_2] : memref<2048xi32, #tpu.memory_space<hbm>> -> memref<64xi32, #tpu.memory_space<hbm>>
      %dma_wait3A_102 = tpu.memref_slice %arg2[%mul3A_2] : memref<2048xi32, #tpu.memory_space<hbm>> -> memref<64xi32, #tpu.memory_space<hbm>>
      tpu.wait_dma2 semaphore(%run_scoped3A : memref<!tpu.dma_semaphore, #tpu.memory_space<semaphore_mem>>) src(%dma_wait3A_102 : memref<64xi32, #tpu.memory_space<hbm>>) dst(%arg9 : memref<64xi32, #tpu.memory_space<vmem>>)
      tpu.yield
    }) : () -> ()
    "tpu.region"() ({
      %run_scoped3A = tpu.sem_alloc : memref<!tpu.dma_semaphore, #tpu.memory_space<semaphore_mem>>
      tpu.enqueue_dma source(%arg3 : memref<1000xf32, #tpu.memory_space<hbm>>) target(%arg10 : memref<1000xf32, #tpu.memory_space<vmem>>) target_semaphore(%run_scoped3A : memref<!tpu.dma_semaphore, #tpu.memory_space<semaphore_mem>>)
      tpu.wait_dma2 semaphore(%run_scoped3A : memref<!tpu.dma_semaphore, #tpu.memory_space<semaphore_mem>>) src(%arg3 : memref<1000xf32, #tpu.memory_space<hbm>>) dst(%arg10 : memref<1000xf32, #tpu.memory_space<vmem>>)
      tpu.yield
    }) : () -> ()
    "tpu.region"() ({
      %run_scoped3A = tpu.sem_alloc : memref<!tpu.dma_semaphore, #tpu.memory_space<semaphore_mem>>
      tpu.enqueue_dma source(%arg4 : memref<1000xf32, #tpu.memory_space<hbm>>) target(%arg11 : memref<1000xf32, #tpu.memory_space<vmem>>) target_semaphore(%run_scoped3A : memref<!tpu.dma_semaphore, #tpu.memory_space<semaphore_mem>>)
      tpu.wait_dma2 semaphore(%run_scoped3A : memref<!tpu.dma_semaphore, #tpu.memory_space<semaphore_mem>>) src(%arg4 : memref<1000xf32, #tpu.memory_space<hbm>>) dst(%arg11 : memref<1000xf32, #tpu.memory_space<vmem>>)
      tpu.yield
    }) : () -> ()
    %get3A = arith.constant 0 : index
    %get3A_3 = tpu.vector_load %arg9[%get3A] {strides = array<i32>} : memref<64xi32, #tpu.memory_space<vmem>>, vector<16xi32>,
    %gather3A = tpu.vector_load_idx %arg10[%get3A_3] : memref<1000xf32, #tpu.memory_space<vmem>>[vector<16xi32>], vector<16xf32>,
    %swap3A = arith.constant 0 : index
    %swap3A_4 = tpu.vector_load %arg12[%swap3A] {strides = array<i32>} : memref<64xf32, #tpu.memory_space<vmem>>, vector<16xf32>,
    tpu.vector_store %arg12[%swap3A], %gather3A {strides = array<i32>} : memref<64xf32, #tpu.memory_space<vmem>>, vector<16xf32>,
    %gather3A_5 = tpu.vector_load_idx %arg11[%get3A_3] : memref<1000xf32, #tpu.memory_space<vmem>>[vector<16xi32>], vector<16xf32>,
    %swap3A_6 = arith.constant 0 : index
    %swap3A_7 = tpu.vector_load %arg13[%swap3A_6] {strides = array<i32>} : memref<64xf32, #tpu.memory_space<vmem>>, vector<16xf32>,
    tpu.vector_store %arg13[%swap3A_6], %gather3A_5 {strides = array<i32>} : memref<64xf32, #tpu.memory_space<vmem>>, vector<16xf32>,
    %get3A_8 = arith.constant 16 : index
    %get3A_9 = tpu.vector_load %arg9[%get3A_8] {strides = array<i32>} : memref<64xi32, #tpu.memory_space<vmem>>, vector<16xi32>,
    %gather3A_10 = tpu.vector_load_idx %arg10[%get3A_9] : memref<1000xf32, #tpu.memory_space<vmem>>[vector<16xi32>], vector<16xf32>,
    %swap3A_11 = arith.constant 16 : index
    %swap3A_12 = tpu.vector_load %arg12[%swap3A_11] {strides = array<i32>} : memref<64xf32, #tpu.memory_space<vmem>>, vector<16xf32>,
    tpu.vector_store %arg12[%swap3A_11], %gather3A_10 {strides = array<i32>} : memref<64xf32, #tpu.memory_space<vmem>>, vector<16xf32>,
    %gather3A_13 = tpu.vector_load_idx %arg11[%get3A_9] : memref<1000xf32, #tpu.memory_space<vmem>>[vector<16xi32>], vector<16xf32>,
    %swap3A_14 = arith.constant 16 : index
    %swap3A_15 = tpu.vector_load %arg13[%swap3A_14] {strides = array<i32>} : memref<64xf32, #tpu.memory_space<vmem>>, vector<16xf32>,
    tpu.vector_store %arg13[%swap3A_14], %gather3A_13 {strides = array<i32>} : memref<64xf32, #tpu.memory_space<vmem>>, vector<16xf32>,
    %get3A_16 = arith.constant 32 : index
    %get3A_17 = tpu.vector_load %arg9[%get3A_16] {strides = array<i32>} : memref<64xi32, #tpu.memory_space<vmem>>, vector<16xi32>,
    %gather3A_18 = tpu.vector_load_idx %arg10[%get3A_17] : memref<1000xf32, #tpu.memory_space<vmem>>[vector<16xi32>], vector<16xf32>,
    %swap3A_19 = arith.constant 32 : index
    %swap3A_20 = tpu.vector_load %arg12[%swap3A_19] {strides = array<i32>} : memref<64xf32, #tpu.memory_space<vmem>>, vector<16xf32>,
    tpu.vector_store %arg12[%swap3A_19], %gather3A_18 {strides = array<i32>} : memref<64xf32, #tpu.memory_space<vmem>>, vector<16xf32>,
    %gather3A_21 = tpu.vector_load_idx %arg11[%get3A_17] : memref<1000xf32, #tpu.memory_space<vmem>>[vector<16xi32>], vector<16xf32>,
    %swap3A_22 = arith.constant 32 : index
    %swap3A_23 = tpu.vector_load %arg13[%swap3A_22] {strides = array<i32>} : memref<64xf32, #tpu.memory_space<vmem>>, vector<16xf32>,
    tpu.vector_store %arg13[%swap3A_22], %gather3A_21 {strides = array<i32>} : memref<64xf32, #tpu.memory_space<vmem>>, vector<16xf32>,
    %get3A_24 = arith.constant 48 : index
    %get3A_25 = tpu.vector_load %arg9[%get3A_24] {strides = array<i32>} : memref<64xi32, #tpu.memory_space<vmem>>, vector<16xi32>,
    %gather3A_26 = tpu.vector_load_idx %arg10[%get3A_25] : memref<1000xf32, #tpu.memory_space<vmem>>[vector<16xi32>], vector<16xf32>,
    %swap3A_27 = arith.constant 48 : index
    %swap3A_28 = tpu.vector_load %arg12[%swap3A_27] {strides = array<i32>} : memref<64xf32, #tpu.memory_space<vmem>>, vector<16xf32>,
    tpu.vector_store %arg12[%swap3A_27], %gather3A_26 {strides = array<i32>} : memref<64xf32, #tpu.memory_space<vmem>>, vector<16xf32>,
    %gather3A_29 = tpu.vector_load_idx %arg11[%get3A_25] : memref<1000xf32, #tpu.memory_space<vmem>>[vector<16xi32>], vector<16xf32>,
    %swap3A_30 = arith.constant 48 : index
    %swap3A_31 = tpu.vector_load %arg13[%swap3A_30] {strides = array<i32>} : memref<64xf32, #tpu.memory_space<vmem>>, vector<16xf32>,
    tpu.vector_store %arg13[%swap3A_30], %gather3A_29 {strides = array<i32>} : memref<64xf32, #tpu.memory_space<vmem>>, vector<16xf32>,
    %add3A_32 = arith.constant 0 : i32
    %add3A_33 = arith.addi %mul3A_2, %add3A_32 : i32
    %dma_start3A = arith.constant 0 : i32
    %dma_start3A_34 = arith.constant 0 : i32
    %dma_start3A_35 = tpu.memref_slice %arg5[%add3A_33, %dma_start3A, %dma_start3A_34] : memref<2048x32x512xf32, #tpu.memory_space<hbm>> -> memref<1x32x512xf32, #tpu.memory_space<hbm>>
    %dma_start3A_36 = arith.constant 0 : i32
    %dma_start3A_37 = arith.constant 0 : i32
    %dma_start3A_38 = tpu.memref_slice %arg5[%add3A_33, %dma_start3A_36, %dma_start3A_37] : memref<2048x32x512xf32, #tpu.memory_space<hbm>> -> memref<1x32x512xf32, #tpu.memory_space<hbm>>
    tpu.enqueue_dma source(%dma_start3A_38 : memref<1x32x512xf32, #tpu.memory_space<hbm>>) target(%arg14 : memref<1x32x512xf32, #tpu.memory_space<vmem>>) target_semaphore(%arg20 : memref<!tpu.dma_semaphore, #tpu.memory_space<semaphore_mem>>)
    %add3A_39 = arith.constant 0 : i32
    %add3A_40 = arith.addi %mul3A_2, %add3A_39 : i32
    %dma_start3A_41 = arith.constant 0 : i32
    %dma_start3A_42 = arith.constant 0 : i32
    %dma_start3A_43 = tpu.memref_slice %arg6[%add3A_40, %dma_start3A_41, %dma_start3A_42] : memref<2048x32x512xf32, #tpu.memory_space<hbm>> -> memref<1x32x512xf32, #tpu.memory_space<hbm>>
    %dma_start3A_44 = arith.constant 0 : i32
    %dma_start3A_45 = arith.constant 0 : i32
    %dma_start3A_46 = tpu.memref_slice %arg6[%add3A_40, %dma_start3A_44, %dma_start3A_45] : memref<2048x32x512xf32, #tpu.memory_space<hbm>> -> memref<1x32x512xf32, #tpu.memory_space<hbm>>
    tpu.enqueue_dma source(%dma_start3A_46 : memref<1x32x512xf32, #tpu.memory_space<hbm>>) target(%arg16 : memref<1x32x512xf32, #tpu.memory_space<vmem>>) target_semaphore(%arg22 : memref<!tpu.dma_semaphore, #tpu.memory_space<semaphore_mem>>)
    %add3A_47 = arith.constant 1 : i32
    %add3A_48 = arith.addi %mul3A_2, %add3A_47 : i32
    %dma_start3A_49 = arith.constant 0 : i32
    %dma_start3A_50 = arith.constant 0 : i32
    %dma_start3A_51 = tpu.memref_slice %arg5[%add3A_48, %dma_start3A_49, %dma_start3A_50] : memref<2048x32x512xf32, #tpu.memory_space<hbm>> -> memref<1x32x512xf32, #tpu.memory_space<hbm>>
    %dma_start3A_52 = arith.constant 0 : i32
    %dma_start3A_53 = arith.constant 0 : i32
    %dma_start3A_54 = tpu.memref_slice %arg5[%add3A_48, %dma_start3A_52, %dma_start3A_53] : memref<2048x32x512xf32, #tpu.memory_space<hbm>> -> memref<1x32x512xf32, #tpu.memory_space<hbm>>
    tpu.enqueue_dma source(%dma_start3A_54 : memref<1x32x512xf32, #tpu.memory_space<hbm>>) target(%arg15 : memref<1x32x512xf32, #tpu.memory_space<vmem>>) target_semaphore(%arg21 : memref<!tpu.dma_semaphore, #tpu.memory_space<semaphore_mem>>)
    %add3A_55 = arith.constant 1 : i32
    %add3A_56 = arith.addi %mul3A_2, %add3A_55 : i32
    %dma_start3A_57 = arith.constant 0 : i32
    %dma_start3A_58 = arith.constant 0 : i32
    %dma_start3A_59 = tpu.memref_slice %arg6[%add3A_56, %dma_start3A_57, %dma_start3A_58] : memref<2048x32x512xf32, #tpu.memory_space<hbm>> -> memref<1x32x512xf32, #tpu.memory_space<hbm>>
    %dma_start3A_60 = arith.constant 0 : i32
    %dma_start3A_61 = arith.constant 0 : i32
    %dma_start3A_62 = tpu.memref_slice %arg6[%add3A_56, %dma_start3A_60, %dma_start3A_61] : memref<2048x32x512xf32, #tpu.memory_space<hbm>> -> memref<1x32x512xf32, #tpu.memory_space<hbm>>
    tpu.enqueue_dma source(%dma_start3A_62 : memref<1x32x512xf32, #tpu.memory_space<hbm>>) target(%arg17 : memref<1x32x512xf32, #tpu.memory_space<vmem>>) target_semaphore(%arg23 : memref<!tpu.dma_semaphore, #tpu.memory_space<semaphore_mem>>)
    %scan3A = arith.constant 0 : i32
    %scan3A_63 = arith.constant 0 : i32
    %scan3A_64 = arith.constant 32 : i32
    %scan3A_65 = arith.addi %scan3A_63, %scan3A_64 : i32
    %scan3A_66 = arith.constant 1 : i32
    scf.for %scan3A_99 = %scan3A_63 to %scan3A_65 step %scan3A_66  : i32 {
      %mul3A_100 = arith.constant 2 : i32
      %mul3A_101 = arith.muli %mul3A_100, %scan3A_99 : i32
      %add3A_102 = arith.constant 1 : i32
      %add3A_103 = arith.addi %mul3A_101, %add3A_102 : i32
      %add3A_104 = arith.addi %mul3A_2, %mul3A_101 : i32
      %dma_wait3A_105 = arith.constant 0 : i32
      %dma_wait3A_106 = arith.constant 0 : i32
      %dma_wait3A_107 = tpu.memref_slice %arg5[%add3A_104, %dma_wait3A_105, %dma_wait3A_106] : memref<2048x32x512xf32, #tpu.memory_space<hbm>> -> memref<1x32x512xf32, #tpu.memory_space<hbm>>
      %dma_wait3A_108 = arith.constant 0 : i32
      %dma_wait3A_109 = arith.constant 0 : i32
      %dma_wait3A_110 = tpu.memref_slice %arg5[%add3A_104, %dma_wait3A_108, %dma_wait3A_109] : memref<2048x32x512xf32, #tpu.memory_space<hbm>> -> memref<1x32x512xf32, #tpu.memory_space<hbm>>
      tpu.wait_dma2 semaphore(%arg20 : memref<!tpu.dma_semaphore, #tpu.memory_space<semaphore_mem>>) src(%dma_wait3A_110 : memref<1x32x512xf32, #tpu.memory_space<hbm>>) dst(%arg14 : memref<1x32x512xf32, #tpu.memory_space<vmem>>)
      %add3A_111 = arith.addi %mul3A_2, %mul3A_101 : i32
      %dma_wait3A_112 = arith.constant 0 : i32
      %dma_wait3A_113 = arith.constant 0 : i32
      %dma_wait3A_114 = tpu.memref_slice %arg6[%add3A_111, %dma_wait3A_112, %dma_wait3A_113] : memref<2048x32x512xf32, #tpu.memory_space<hbm>> -> memref<1x32x512xf32, #tpu.memory_space<hbm>>
      %dma_wait3A_115 = arith.constant 0 : i32
      %dma_wait3A_116 = arith.constant 0 : i32
      %dma_wait3A_117 = tpu.memref_slice %arg6[%add3A_111, %dma_wait3A_115, %dma_wait3A_116] : memref<2048x32x512xf32, #tpu.memory_space<hbm>> -> memref<1x32x512xf32, #tpu.memory_space<hbm>>
      tpu.wait_dma2 semaphore(%arg22 : memref<!tpu.dma_semaphore, #tpu.memory_space<semaphore_mem>>) src(%dma_wait3A_117 : memref<1x32x512xf32, #tpu.memory_space<hbm>>) dst(%arg16 : memref<1x32x512xf32, #tpu.memory_space<vmem>>)
      %add3A_118 = arith.addi %mul3A_2, %mul3A_101 : i32
      %dma_start3A_119 = arith.constant 0 : i32
      %dma_start3A_120 = arith.constant 0 : i32
      %dma_start3A_121 = tpu.memref_slice %arg8[%add3A_118, %dma_start3A_119, %dma_start3A_120] : memref<2048x32x512xf32, #tpu.memory_space<hbm>> -> memref<1x32x512xf32, #tpu.memory_space<hbm>>
      %dma_start3A_122 = arith.constant 0 : i32
      %dma_start3A_123 = arith.constant 0 : i32
      %dma_start3A_124 = tpu.memref_slice %arg8[%add3A_118, %dma_start3A_122, %dma_start3A_123] : memref<2048x32x512xf32, #tpu.memory_space<hbm>> -> memref<1x32x512xf32, #tpu.memory_space<hbm>>
      tpu.enqueue_dma source(%arg16 : memref<1x32x512xf32, #tpu.memory_space<vmem>>) target(%dma_start3A_124 : memref<1x32x512xf32, #tpu.memory_space<hbm>>) target_semaphore(%arg26 : memref<!tpu.dma_semaphore, #tpu.memory_space<semaphore_mem>>)
      %gt3A = arith.constant 0 : i32
      %gt3A_125 = arith.cmpi sgt, %scan3A_99, %gt3A : i32
      %convert_element_type3A = arith.extui %gt3A_125 : i1 to i32
      %cond3A = arith.constant 0 : i32
      %cond3A_126 = arith.cmpi ne, %convert_element_type3A, %cond3A : i32
      scf.if %cond3A_126 {
        %sub3A = arith.constant 2 : i32
        %sub3A_186 = arith.subi %mul3A_101, %sub3A : i32
        %add3A_187 = arith.addi %mul3A_2, %sub3A_186 : i32
        %dma_wait3A_188 = arith.constant 0 : i32
        %dma_wait3A_189 = arith.constant 0 : i32
        %dma_wait3A_190 = tpu.memref_slice %arg7[%add3A_187, %dma_wait3A_188, %dma_wait3A_189] : memref<2048x32x512xf32, #tpu.memory_space<hbm>> -> memref<1x32x512xf32, #tpu.memory_space<hbm>>
        %dma_wait3A_191 = arith.constant 0 : i32
        %dma_wait3A_192 = arith.constant 0 : i32
        %dma_wait3A_193 = tpu.memref_slice %arg7[%add3A_187, %dma_wait3A_191, %dma_wait3A_192] : memref<2048x32x512xf32, #tpu.memory_space<hbm>> -> memref<1x32x512xf32, #tpu.memory_space<hbm>>
        tpu.wait_dma2 semaphore(%arg24 : memref<!tpu.dma_semaphore, #tpu.memory_space<semaphore_mem>>) src(%arg18 : memref<1x32x512xf32, #tpu.memory_space<vmem>>) dst(%dma_wait3A_193 : memref<1x32x512xf32, #tpu.memory_space<hbm>>)
      } else {
      }
      %broadcast_in_dim3A = vector.broadcast %mul3A_101 : i32 to vector<16xi32>
      %gather3A_127 = tpu.vector_load_idx %arg12[%broadcast_in_dim3A] : memref<64xf32, #tpu.memory_space<vmem>>[vector<16xi32>], vector<16xf32>,
      %gather3A_128 = tpu.vector_load_idx %arg13[%broadcast_in_dim3A] : memref<64xf32, #tpu.memory_space<vmem>>[vector<16xi32>], vector<16xf32>,
      %parallel_loop3A = arith.constant 0 : i32
      %parallel_loop3A_129 = arith.constant 32 : i32
      %parallel_loop3A_130 = arith.constant 1 : i32
      scf.for %parallel_loop3A_186 = %parallel_loop3A to %parallel_loop3A_129 step %parallel_loop3A_130  : i32 {
        %parallel_loop3A_187 = arith.constant 0 : i32
        %parallel_loop3A_188 = arith.constant 32 : i32
        %parallel_loop3A_189 = arith.constant 1 : i32
        scf.for %parallel_loop3A_190 = %parallel_loop3A_187 to %parallel_loop3A_188 step %parallel_loop3A_189  : i32 {
          %parallel_loop3A_191 = arith.constant 16 : i32
          %parallel_loop3A_192 = arith.muli %parallel_loop3A_190, %parallel_loop3A_191 : i32
          %parallel_loop3A_193 = arith.constant 0 : i32
          %parallel_loop3A_194 = arith.index_cast %parallel_loop3A_193 : i32 to index
          %parallel_loop3A_195 = arith.index_cast %parallel_loop3A_186 : i32 to index
          %parallel_loop3A_196 = arith.index_cast %parallel_loop3A_192 : i32 to index
          %parallel_loop3A_197 = tpu.vector_load %arg14[%parallel_loop3A_194, %parallel_loop3A_195, %parallel_loop3A_196] {strides = array<i32>} : memref<1x32x512xf32, #tpu.memory_space<vmem>>, vector<16xf32>,
          %parallel_loop3A_198 = arith.mulf %gather3A_127, %parallel_loop3A_197 : vector<16xf32>
          %parallel_loop3A_199 = arith.constant 0 : i32
          %parallel_loop3A_200 = arith.index_cast %parallel_loop3A_199 : i32 to index
          %parallel_loop3A_201 = arith.index_cast %parallel_loop3A_186 : i32 to index
          %parallel_loop3A_202 = arith.index_cast %parallel_loop3A_192 : i32 to index
          %parallel_loop3A_203 = tpu.vector_load %arg16[%parallel_loop3A_200, %parallel_loop3A_201, %parallel_loop3A_202] {strides = array<i32>} : memref<1x32x512xf32, #tpu.memory_space<vmem>>, vector<16xf32>,
          %parallel_loop3A_204 = arith.mulf %gather3A_128, %parallel_loop3A_203 : vector<16xf32>
          %parallel_loop3A_205 = arith.addf %parallel_loop3A_198, %parallel_loop3A_204 : vector<16xf32>
          %parallel_loop3A_206 = arith.constant 0 : i32
          %parallel_loop3A_207 = arith.index_cast %parallel_loop3A_206 : i32 to index
          %parallel_loop3A_208 = arith.index_cast %parallel_loop3A_186 : i32 to index
          %parallel_loop3A_209 = arith.index_cast %parallel_loop3A_192 : i32 to index
          %parallel_loop3A_210 = tpu.vector_load %arg18[%parallel_loop3A_207, %parallel_loop3A_208, %parallel_loop3A_209] {strides = array<i32>} : memref<1x32x512xf32, #tpu.memory_space<vmem>>, vector<16xf32>,
          tpu.vector_store %arg18[%parallel_loop3A_207, %parallel_loop3A_208, %parallel_loop3A_209], %parallel_loop3A_205 {strides = array<i32>} : memref<1x32x512xf32, #tpu.memory_space<vmem>>, vector<16xf32>,
        } {sc.loop_unroll_factor = 8 : i64, sc.parallel_access}
      } {sc.loop_unroll_factor = 1 : i64, sc.parallel_access}
      %add3A_131 = arith.addi %mul3A_2, %mul3A_101 : i32
      %dma_start3A_132 = arith.constant 0 : i32
      %dma_start3A_133 = arith.constant 0 : i32
      %dma_start3A_134 = tpu.memref_slice %arg7[%add3A_131, %dma_start3A_132, %dma_start3A_133] : memref<2048x32x512xf32, #tpu.memory_space<hbm>> -> memref<1x32x512xf32, #tpu.memory_space<hbm>>
      %dma_start3A_135 = arith.constant 0 : i32
      %dma_start3A_136 = arith.constant 0 : i32
      %dma_start3A_137 = tpu.memref_slice %arg7[%add3A_131, %dma_start3A_135, %dma_start3A_136] : memref<2048x32x512xf32, #tpu.memory_space<hbm>> -> memref<1x32x512xf32, #tpu.memory_space<hbm>>
      tpu.enqueue_dma source(%arg18 : memref<1x32x512xf32, #tpu.memory_space<vmem>>) target(%dma_start3A_137 : memref<1x32x512xf32, #tpu.memory_space<hbm>>) target_semaphore(%arg24 : memref<!tpu.dma_semaphore, #tpu.memory_space<semaphore_mem>>)
      %lt3A = arith.constant 31 : i32
      %lt3A_138 = arith.cmpi slt, %scan3A_99, %lt3A : i32
      %convert_element_type3A_139 = arith.extui %lt3A_138 : i1 to i32
      %cond3A_140 = arith.constant 0 : i32
      %cond3A_141 = arith.cmpi ne, %convert_element_type3A_139, %cond3A_140 : i32
      scf.if %cond3A_141 {
        %add3A_186 = arith.addi %mul3A_2, %mul3A_101 : i32
        %dma_wait3A_187 = arith.constant 0 : i32
        %dma_wait3A_188 = arith.constant 0 : i32
        %dma_wait3A_189 = tpu.memref_slice %arg8[%add3A_186, %dma_wait3A_187, %dma_wait3A_188] : memref<2048x32x512xf32, #tpu.memory_space<hbm>> -> memref<1x32x512xf32, #tpu.memory_space<hbm>>
        %dma_wait3A_190 = arith.constant 0 : i32
        %dma_wait3A_191 = arith.constant 0 : i32
        %dma_wait3A_192 = tpu.memref_slice %arg8[%add3A_186, %dma_wait3A_190, %dma_wait3A_191] : memref<2048x32x512xf32, #tpu.memory_space<hbm>> -> memref<1x32x512xf32, #tpu.memory_space<hbm>>
        tpu.wait_dma2 semaphore(%arg26 : memref<!tpu.dma_semaphore, #tpu.memory_space<semaphore_mem>>) src(%arg16 : memref<1x32x512xf32, #tpu.memory_space<vmem>>) dst(%dma_wait3A_192 : memref<1x32x512xf32, #tpu.memory_space<hbm>>)
        %add3A_193 = arith.constant 2 : i32
        %add3A_194 = arith.addi %mul3A_101, %add3A_193 : i32
        %add3A_195 = arith.addi %mul3A_2, %add3A_194 : i32
        %dma_start3A_196 = arith.constant 0 : i32
        %dma_start3A_197 = arith.constant 0 : i32
        %dma_start3A_198 = tpu.memref_slice %arg5[%add3A_195, %dma_start3A_196, %dma_start3A_197] : memref<2048x32x512xf32, #tpu.memory_space<hbm>> -> memref<1x32x512xf32, #tpu.memory_space<hbm>>
        %dma_start3A_199 = arith.constant 0 : i32
        %dma_start3A_200 = arith.constant 0 : i32
        %dma_start3A_201 = tpu.memref_slice %arg5[%add3A_195, %dma_start3A_199, %dma_start3A_200] : memref<2048x32x512xf32, #tpu.memory_space<hbm>> -> memref<1x32x512xf32, #tpu.memory_space<hbm>>
        tpu.enqueue_dma source(%dma_start3A_201 : memref<1x32x512xf32, #tpu.memory_space<hbm>>) target(%arg14 : memref<1x32x512xf32, #tpu.memory_space<vmem>>) target_semaphore(%arg20 : memref<!tpu.dma_semaphore, #tpu.memory_space<semaphore_mem>>)
        %add3A_202 = arith.addi %mul3A_2, %add3A_194 : i32
        %dma_start3A_203 = arith.constant 0 : i32
        %dma_start3A_204 = arith.constant 0 : i32
        %dma_start3A_205 = tpu.memref_slice %arg6[%add3A_202, %dma_start3A_203, %dma_start3A_204] : memref<2048x32x512xf32, #tpu.memory_space<hbm>> -> memref<1x32x512xf32, #tpu.memory_space<hbm>>
        %dma_start3A_206 = arith.constant 0 : i32
        %dma_start3A_207 = arith.constant 0 : i32
        %dma_start3A_208 = tpu.memref_slice %arg6[%add3A_202, %dma_start3A_206, %dma_start3A_207] : memref<2048x32x512xf32, #tpu.memory_space<hbm>> -> memref<1x32x512xf32, #tpu.memory_space<hbm>>
        tpu.enqueue_dma source(%dma_start3A_208 : memref<1x32x512xf32, #tpu.memory_space<hbm>>) target(%arg16 : memref<1x32x512xf32, #tpu.memory_space<vmem>>) target_semaphore(%arg22 : memref<!tpu.dma_semaphore, #tpu.memory_space<semaphore_mem>>)
      } else {
      }
      %add3A_142 = arith.addi %mul3A_2, %add3A_103 : i32
      %dma_wait3A_143 = arith.constant 0 : i32
      %dma_wait3A_144 = arith.constant 0 : i32
      %dma_wait3A_145 = tpu.memref_slice %arg5[%add3A_142, %dma_wait3A_143, %dma_wait3A_144] : memref<2048x32x512xf32, #tpu.memory_space<hbm>> -> memref<1x32x512xf32, #tpu.memory_space<hbm>>
      %dma_wait3A_146 = arith.constant 0 : i32
      %dma_wait3A_147 = arith.constant 0 : i32
      %dma_wait3A_148 = tpu.memref_slice %arg5[%add3A_142, %dma_wait3A_146, %dma_wait3A_147] : memref<2048x32x512xf32, #tpu.memory_space<hbm>> -> memref<1x32x512xf32, #tpu.memory_space<hbm>>
      tpu.wait_dma2 semaphore(%arg21 : memref<!tpu.dma_semaphore, #tpu.memory_space<semaphore_mem>>) src(%dma_wait3A_148 : memref<1x32x512xf32, #tpu.memory_space<hbm>>) dst(%arg15 : memref<1x32x512xf32, #tpu.memory_space<vmem>>)
      %add3A_149 = arith.addi %mul3A_2, %add3A_103 : i32
      %dma_wait3A_150 = arith.constant 0 : i32
      %dma_wait3A_151 = arith.constant 0 : i32
      %dma_wait3A_152 = tpu.memref_slice %arg6[%add3A_149, %dma_wait3A_150, %dma_wait3A_151] : memref<2048x32x512xf32, #tpu.memory_space<hbm>> -> memref<1x32x512xf32, #tpu.memory_space<hbm>>
      %dma_wait3A_153 = arith.constant 0 : i32
      %dma_wait3A_154 = arith.constant 0 : i32
      %dma_wait3A_155 = tpu.memref_slice %arg6[%add3A_149, %dma_wait3A_153, %dma_wait3A_154] : memref<2048x32x512xf32, #tpu.memory_space<hbm>> -> memref<1x32x512xf32, #tpu.memory_space<hbm>>
      tpu.wait_dma2 semaphore(%arg23 : memref<!tpu.dma_semaphore, #tpu.memory_space<semaphore_mem>>) src(%dma_wait3A_155 : memref<1x32x512xf32, #tpu.memory_space<hbm>>) dst(%arg17 : memref<1x32x512xf32, #tpu.memory_space<vmem>>)
      %add3A_156 = arith.addi %mul3A_2, %add3A_103 : i32
      %dma_start3A_157 = arith.constant 0 : i32
      %dma_start3A_158 = arith.constant 0 : i32
      %dma_start3A_159 = tpu.memref_slice %arg8[%add3A_156, %dma_start3A_157, %dma_start3A_158] : memref<2048x32x512xf32, #tpu.memory_space<hbm>> -> memref<1x32x512xf32, #tpu.memory_space<hbm>>
      %dma_start3A_160 = arith.constant 0 : i32
      %dma_start3A_161 = arith.constant 0 : i32
      %dma_start3A_162 = tpu.memref_slice %arg8[%add3A_156, %dma_start3A_160, %dma_start3A_161] : memref<2048x32x512xf32, #tpu.memory_space<hbm>> -> memref<1x32x512xf32, #tpu.memory_space<hbm>>
      tpu.enqueue_dma source(%arg17 : memref<1x32x512xf32, #tpu.memory_space<vmem>>) target(%dma_start3A_162 : memref<1x32x512xf32, #tpu.memory_space<hbm>>) target_semaphore(%arg27 : memref<!tpu.dma_semaphore, #tpu.memory_space<semaphore_mem>>)
      %gt3A_163 = arith.constant 0 : i32
      %gt3A_164 = arith.cmpi sgt, %scan3A_99, %gt3A_163 : i32
      %convert_element_type3A_165 = arith.extui %gt3A_164 : i1 to i32
      %cond3A_166 = arith.constant 0 : i32
      %cond3A_167 = arith.cmpi ne, %convert_element_type3A_165, %cond3A_166 : i32
      scf.if %cond3A_167 {
        %sub3A = arith.constant 2 : i32
        %sub3A_186 = arith.subi %add3A_103, %sub3A : i32
        %add3A_187 = arith.addi %mul3A_2, %sub3A_186 : i32
        %dma_wait3A_188 = arith.constant 0 : i32
        %dma_wait3A_189 = arith.constant 0 : i32
        %dma_wait3A_190 = tpu.memref_slice %arg7[%add3A_187, %dma_wait3A_188, %dma_wait3A_189] : memref<2048x32x512xf32, #tpu.memory_space<hbm>> -> memref<1x32x512xf32, #tpu.memory_space<hbm>>
        %dma_wait3A_191 = arith.constant 0 : i32
        %dma_wait3A_192 = arith.constant 0 : i32
        %dma_wait3A_193 = tpu.memref_slice %arg7[%add3A_187, %dma_wait3A_191, %dma_wait3A_192] : memref<2048x32x512xf32, #tpu.memory_space<hbm>> -> memref<1x32x512xf32, #tpu.memory_space<hbm>>
        tpu.wait_dma2 semaphore(%arg25 : memref<!tpu.dma_semaphore, #tpu.memory_space<semaphore_mem>>) src(%arg19 : memref<1x32x512xf32, #tpu.memory_space<vmem>>) dst(%dma_wait3A_193 : memref<1x32x512xf32, #tpu.memory_space<hbm>>)
      } else {
      }
      %broadcast_in_dim3A_168 = vector.broadcast %add3A_103 : i32 to vector<16xi32>
      %gather3A_169 = tpu.vector_load_idx %arg12[%broadcast_in_dim3A_168] : memref<64xf32, #tpu.memory_space<vmem>>[vector<16xi32>], vector<16xf32>,
      %gather3A_170 = tpu.vector_load_idx %arg13[%broadcast_in_dim3A_168] : memref<64xf32, #tpu.memory_space<vmem>>[vector<16xi32>], vector<16xf32>,
      %parallel_loop3A_171 = arith.constant 0 : i32
      %parallel_loop3A_172 = arith.constant 32 : i32
      %parallel_loop3A_173 = arith.constant 1 : i32
      scf.for %parallel_loop3A_186 = %parallel_loop3A_171 to %parallel_loop3A_172 step %parallel_loop3A_173  : i32 {
        %parallel_loop3A_187 = arith.constant 0 : i32
        %parallel_loop3A_188 = arith.constant 32 : i32
        %parallel_loop3A_189 = arith.constant 1 : i32
        scf.for %parallel_loop3A_190 = %parallel_loop3A_187 to %parallel_loop3A_188 step %parallel_loop3A_189  : i32 {
          %parallel_loop3A_191 = arith.constant 16 : i32
          %parallel_loop3A_192 = arith.muli %parallel_loop3A_190, %parallel_loop3A_191 : i32
          %parallel_loop3A_193 = arith.constant 0 : i32
          %parallel_loop3A_194 = arith.index_cast %parallel_loop3A_193 : i32 to index
          %parallel_loop3A_195 = arith.index_cast %parallel_loop3A_186 : i32 to index
          %parallel_loop3A_196 = arith.index_cast %parallel_loop3A_192 : i32 to index
          %parallel_loop3A_197 = tpu.vector_load %arg15[%parallel_loop3A_194, %parallel_loop3A_195, %parallel_loop3A_196] {strides = array<i32>} : memref<1x32x512xf32, #tpu.memory_space<vmem>>, vector<16xf32>,
          %parallel_loop3A_198 = arith.mulf %gather3A_169, %parallel_loop3A_197 : vector<16xf32>
          %parallel_loop3A_199 = arith.constant 0 : i32
          %parallel_loop3A_200 = arith.index_cast %parallel_loop3A_199 : i32 to index
          %parallel_loop3A_201 = arith.index_cast %parallel_loop3A_186 : i32 to index
          %parallel_loop3A_202 = arith.index_cast %parallel_loop3A_192 : i32 to index
          %parallel_loop3A_203 = tpu.vector_load %arg17[%parallel_loop3A_200, %parallel_loop3A_201, %parallel_loop3A_202] {strides = array<i32>} : memref<1x32x512xf32, #tpu.memory_space<vmem>>, vector<16xf32>,
          %parallel_loop3A_204 = arith.mulf %gather3A_170, %parallel_loop3A_203 : vector<16xf32>
          %parallel_loop3A_205 = arith.addf %parallel_loop3A_198, %parallel_loop3A_204 : vector<16xf32>
          %parallel_loop3A_206 = arith.constant 0 : i32
          %parallel_loop3A_207 = arith.index_cast %parallel_loop3A_206 : i32 to index
          %parallel_loop3A_208 = arith.index_cast %parallel_loop3A_186 : i32 to index
          %parallel_loop3A_209 = arith.index_cast %parallel_loop3A_192 : i32 to index
          %parallel_loop3A_210 = tpu.vector_load %arg19[%parallel_loop3A_207, %parallel_loop3A_208, %parallel_loop3A_209] {strides = array<i32>} : memref<1x32x512xf32, #tpu.memory_space<vmem>>, vector<16xf32>,
          tpu.vector_store %arg19[%parallel_loop3A_207, %parallel_loop3A_208, %parallel_loop3A_209], %parallel_loop3A_205 {strides = array<i32>} : memref<1x32x512xf32, #tpu.memory_space<vmem>>, vector<16xf32>,
        } {sc.loop_unroll_factor = 8 : i64, sc.parallel_access}
      } {sc.loop_unroll_factor = 1 : i64, sc.parallel_access}
      %add3A_174 = arith.addi %mul3A_2, %add3A_103 : i32
      %dma_start3A_175 = arith.constant 0 : i32
      %dma_start3A_176 = arith.constant 0 : i32
      %dma_start3A_177 = tpu.memref_slice %arg7[%add3A_174, %dma_start3A_175, %dma_start3A_176] : memref<2048x32x512xf32, #tpu.memory_space<hbm>> -> memref<1x32x512xf32, #tpu.memory_space<hbm>>
      %dma_start3A_178 = arith.constant 0 : i32
      %dma_start3A_179 = arith.constant 0 : i32
      %dma_start3A_180 = tpu.memref_slice %arg7[%add3A_174, %dma_start3A_178, %dma_start3A_179] : memref<2048x32x512xf32, #tpu.memory_space<hbm>> -> memref<1x32x512xf32, #tpu.memory_space<hbm>>
      tpu.enqueue_dma source(%arg19 : memref<1x32x512xf32, #tpu.memory_space<vmem>>) target(%dma_start3A_180 : memref<1x32x512xf32, #tpu.memory_space<hbm>>) target_semaphore(%arg25 : memref<!tpu.dma_semaphore, #tpu.memory_space<semaphore_mem>>)
      %lt3A_181 = arith.constant 31 : i32
      %lt3A_182 = arith.cmpi slt, %scan3A_99, %lt3A_181 : i32
      %convert_element_type3A_183 = arith.extui %lt3A_182 : i1 to i32
      %cond3A_184 = arith.constant 0 : i32
      %cond3A_185 = arith.cmpi ne, %convert_element_type3A_183, %cond3A_184 : i32
      scf.if %cond3A_185 {
        %add3A_186 = arith.addi %mul3A_2, %add3A_103 : i32
        %dma_wait3A_187 = arith.constant 0 : i32
        %dma_wait3A_188 = arith.constant 0 : i32
        %dma_wait3A_189 = tpu.memref_slice %arg8[%add3A_186, %dma_wait3A_187, %dma_wait3A_188] : memref<2048x32x512xf32, #tpu.memory_space<hbm>> -> memref<1x32x512xf32, #tpu.memory_space<hbm>>
        %dma_wait3A_190 = arith.constant 0 : i32
        %dma_wait3A_191 = arith.constant 0 : i32
        %dma_wait3A_192 = tpu.memref_slice %arg8[%add3A_186, %dma_wait3A_190, %dma_wait3A_191] : memref<2048x32x512xf32, #tpu.memory_space<hbm>> -> memref<1x32x512xf32, #tpu.memory_space<hbm>>
        tpu.wait_dma2 semaphore(%arg27 : memref<!tpu.dma_semaphore, #tpu.memory_space<semaphore_mem>>) src(%arg17 : memref<1x32x512xf32, #tpu.memory_space<vmem>>) dst(%dma_wait3A_192 : memref<1x32x512xf32, #tpu.memory_space<hbm>>)
        %add3A_193 = arith.constant 2 : i32
        %add3A_194 = arith.addi %add3A_103, %add3A_193 : i32
        %add3A_195 = arith.addi %mul3A_2, %add3A_194 : i32
        %dma_start3A_196 = arith.constant 0 : i32
        %dma_start3A_197 = arith.constant 0 : i32
        %dma_start3A_198 = tpu.memref_slice %arg5[%add3A_195, %dma_start3A_196, %dma_start3A_197] : memref<2048x32x512xf32, #tpu.memory_space<hbm>> -> memref<1x32x512xf32, #tpu.memory_space<hbm>>
        %dma_start3A_199 = arith.constant 0 : i32
        %dma_start3A_200 = arith.constant 0 : i32
        %dma_start3A_201 = tpu.memref_slice %arg5[%add3A_195, %dma_start3A_199, %dma_start3A_200] : memref<2048x32x512xf32, #tpu.memory_space<hbm>> -> memref<1x32x512xf32, #tpu.memory_space<hbm>>
        tpu.enqueue_dma source(%dma_start3A_201 : memref<1x32x512xf32, #tpu.memory_space<hbm>>) target(%arg15 : memref<1x32x512xf32, #tpu.memory_space<vmem>>) target_semaphore(%arg21 : memref<!tpu.dma_semaphore, #tpu.memory_space<semaphore_mem>>)
        %add3A_202 = arith.addi %mul3A_2, %add3A_194 : i32
        %dma_start3A_203 = arith.constant 0 : i32
        %dma_start3A_204 = arith.constant 0 : i32
        %dma_start3A_205 = tpu.memref_slice %arg6[%add3A_202, %dma_start3A_203, %dma_start3A_204] : memref<2048x32x512xf32, #tpu.memory_space<hbm>> -> memref<1x32x512xf32, #tpu.memory_space<hbm>>
        %dma_start3A_206 = arith.constant 0 : i32
        %dma_start3A_207 = arith.constant 0 : i32
        %dma_start3A_208 = tpu.memref_slice %arg6[%add3A_202, %dma_start3A_206, %dma_start3A_207] : memref<2048x32x512xf32, #tpu.memory_space<hbm>> -> memref<1x32x512xf32, #tpu.memory_space<hbm>>
        tpu.enqueue_dma source(%dma_start3A_208 : memref<1x32x512xf32, #tpu.memory_space<hbm>>) target(%arg17 : memref<1x32x512xf32, #tpu.memory_space<vmem>>) target_semaphore(%arg23 : memref<!tpu.dma_semaphore, #tpu.memory_space<semaphore_mem>>)
      } else {
      }
    }
    %scan3A_67 = arith.constant 32 : i32
    %add3A_68 = arith.constant 62 : i32
    %add3A_69 = arith.addi %mul3A_2, %add3A_68 : i32
    %dma_wait3A = arith.constant 0 : i32
    %dma_wait3A_70 = arith.constant 0 : i32
    %dma_wait3A_71 = tpu.memref_slice %arg7[%add3A_69, %dma_wait3A, %dma_wait3A_70] : memref<2048x32x512xf32, #tpu.memory_space<hbm>> -> memref<1x32x512xf32, #tpu.memory_space<hbm>>
    %dma_wait3A_72 = arith.constant 0 : i32
    %dma_wait3A_73 = arith.constant 0 : i32
    %dma_wait3A_74 = tpu.memref_slice %arg7[%add3A_69, %dma_wait3A_72, %dma_wait3A_73] : memref<2048x32x512xf32, #tpu.memory_space<hbm>> -> memref<1x32x512xf32, #tpu.memory_space<hbm>>
    tpu.wait_dma2 semaphore(%arg24 : memref<!tpu.dma_semaphore, #tpu.memory_space<semaphore_mem>>) src(%arg18 : memref<1x32x512xf32, #tpu.memory_space<vmem>>) dst(%dma_wait3A_74 : memref<1x32x512xf32, #tpu.memory_space<hbm>>)
    %add3A_75 = arith.constant 63 : i32
    %add3A_76 = arith.addi %mul3A_2, %add3A_75 : i32
    %dma_wait3A_77 = arith.constant 0 : i32
    %dma_wait3A_78 = arith.constant 0 : i32
    %dma_wait3A_79 = tpu.memref_slice %arg7[%add3A_76, %dma_wait3A_77, %dma_wait3A_78] : memref<2048x32x512xf32, #tpu.memory_space<hbm>> -> memref<1x32x512xf32, #tpu.memory_space<hbm>>
    %dma_wait3A_80 = arith.constant 0 : i32
    %dma_wait3A_81 = arith.constant 0 : i32
    %dma_wait3A_82 = tpu.memref_slice %arg7[%add3A_76, %dma_wait3A_80, %dma_wait3A_81] : memref<2048x32x512xf32, #tpu.memory_space<hbm>> -> memref<1x32x512xf32, #tpu.memory_space<hbm>>
    tpu.wait_dma2 semaphore(%arg25 : memref<!tpu.dma_semaphore, #tpu.memory_space<semaphore_mem>>) src(%arg19 : memref<1x32x512xf32, #tpu.memory_space<vmem>>) dst(%dma_wait3A_82 : memref<1x32x512xf32, #tpu.memory_space<hbm>>)
    %add3A_83 = arith.constant 62 : i32
    %add3A_84 = arith.addi %mul3A_2, %add3A_83 : i32
    %dma_wait3A_85 = arith.constant 0 : i32
    %dma_wait3A_86 = arith.constant 0 : i32
    %dma_wait3A_87 = tpu.memref_slice %arg8[%add3A_84, %dma_wait3A_85, %dma_wait3A_86] : memref<2048x32x512xf32, #tpu.memory_space<hbm>> -> memref<1x32x512xf32, #tpu.memory_space<hbm>>
    %dma_wait3A_88 = arith.constant 0 : i32
    %dma_wait3A_89 = arith.constant 0 : i32
    %dma_wait3A_90 = tpu.memref_slice %arg8[%add3A_84, %dma_wait3A_88, %dma_wait3A_89] : memref<2048x32x512xf32, #tpu.memory_space<hbm>> -> memref<1x32x512xf32, #tpu.memory_space<hbm>>
    tpu.wait_dma2 semaphore(%arg26 : memref<!tpu.dma_semaphore, #tpu.memory_space<semaphore_mem>>) src(%arg16 : memref<1x32x512xf32, #tpu.memory_space<vmem>>) dst(%dma_wait3A_90 : memref<1x32x512xf32, #tpu.memory_space<hbm>>)
    %add3A_91 = arith.constant 63 : i32
    %add3A_92 = arith.addi %mul3A_2, %add3A_91 : i32
    %dma_wait3A_93 = arith.constant 0 : i32
    %dma_wait3A_94 = arith.constant 0 : i32
    %dma_wait3A_95 = tpu.memref_slice %arg8[%add3A_92, %dma_wait3A_93, %dma_wait3A_94] : memref<2048x32x512xf32, #tpu.memory_space<hbm>> -> memref<1x32x512xf32, #tpu.memory_space<hbm>>
    %dma_wait3A_96 = arith.constant 0 : i32
    %dma_wait3A_97 = arith.constant 0 : i32
    %dma_wait3A_98 = tpu.memref_slice %arg8[%add3A_92, %dma_wait3A_96, %dma_wait3A_97] : memref<2048x32x512xf32, #tpu.memory_space<hbm>> -> memref<1x32x512xf32, #tpu.memory_space<hbm>>
    tpu.wait_dma2 semaphore(%arg27 : memref<!tpu.dma_semaphore, #tpu.memory_space<semaphore_mem>>) src(%arg17 : memref<1x32x512xf32, #tpu.memory_space<vmem>>) dst(%dma_wait3A_98 : memref<1x32x512xf32, #tpu.memory_space<hbm>>)
    return
  }
}

</mosaic_0001>

<sc_bundles>
// kernel: kernel.3.cloned.1.call-start
scs
__scs_entry_jumppad:
0x0: {  	(pc) =	sbr.rel $0x88, $3  }
0x1: {  	(tag) =	ssettag $0x0;
	lr =	simm.s32 $0x1  }
0x2: {  	[smem:$0x3F9C] =	sst lr;
	_ =	strace $0xD0000000  }
0x3: {  	_ = 	snop  }
0x4: {  	_ = 	snop  }
0x5: {  	_ = 	snop  }
0x6: {  	_ = 	snop  }
0x7: {  	_ = 	snop  }
__scs_overlays_trampoline_lowered:
0x8: {  	[smem:$0x3FAB] =	sst s0  }
0x9: {  	[smem:$0x3FAC] =	sst s1  }
0xa: {  	[smem:$0x3FAD] =	sst s2  }
0xb: {  	[smem:$0x3FAE] =	sst s3  }
0xc: {  	[smem:$0x3FAF] =	sst s4  }
0xd: {  	[smem:$0x3FB0] =	sst s5  }
0xe: {  	[smem:$0x3FB1] =	sst s6  }
0xf: {  	[smem:$0x3FB2] =	sst s7  }
0x10: {  	[smem:$0x3FB3] =	sst s8  }
0x11: {  	[smem:$0x3FB4] =	sst s9;
	s0 =	simm.s32 @!p0 $0x0  }
0x12: {  	s1 =	sld [smem:$0x3F9A];
	s0 =	simm.s32 @p0 $0x1  }
0x13: {  	[smem:$0x3FB5] =	sst s0;
	s0 =	simm.s32 @!p1 $0x0  }
0x14: {  	s2 =	sld [smem:$0x3F99];
	s0 =	simm.s32 @p1 $0x1  }
0x15: {  	[smem:$0x3FB6] =	sst s0;
	s0 =	simm.s32 @!p2 $0x0  }
0x16: {  	s3 =	sld [smem:$0x3FDB];
	s0 =	simm.s32 @p2 $0x1  }
0x17: {  	s4 =	simm.s32 $0x1BF5;
	[smem:$0x3FB8] =	sst s0  }
0x18: {  	s0 =	sld [smem:$0x3F9B];
	_ =	swait.ge [sflag:s4], $0x0  }
0x19: {  	s7 =	sld [smem:$0x3F9C]  }
0x1a: {  	s8 =	sadd.s32 $0xFFFFE003, lr  }
0x1b: {  	s9 =	sadd.s32 $0xFFFFFEF7, lr;
	s5 =	simm.s32 $0xFFFFFFFF;
	p2 =	slt.u32 s8, $0xFFFFF086  }
0x1c: {  	p1 =	slt.u32 s9, $0xF7A;
	s5 =	simm.s32 @!p2 $0x0  }
0x1d: {  	s5 =	simm.s32 @p1 $0x1;
	p0 =	seq.s32 s7, s2  }
0x1e: {  	s7 =	smul.u32 @!p0 $0xF7A, s2;
	p2 =	seq.s32 @!p0 s5, $0x0  }
0x1f: {  	s9 =	smul.u32 $0xF7A, s1;
	s8 =	simm.s32 @!p0 $0x1BF5;
	p2 =	por !p2, p0  }
0x20: {  	[sflag:s8] =	ssyncset.s32 @!p0 $0xFFFFF086;
	s6 =	sadd.s32 @!p0 s3, s7;
	s7 =	simm.s32 @!p0 $0x108  }
0x21: {  	s3 =	sadd.s32 s3, s9;
	s6 =	sadd.s32 @!p0 $0x88, s6;
	s7 =	simm.s32 @p2 $0x1082  }
0x22: {  	[simem:s7], [sflag:s8] =	dma.local @!p0 [hbm:s6], $0xF7A  }
0x23: {  	s9 =	sor.u32 $0xD0000000, s2;
	s6 =	simm.s32 $0x108;
	_ =	swait.ge @!p0 [sflag:s8], $0x0  }
0x24: {  	s3 =	sadd.s32 $0x88, s3;
	s6 =	simm.s32 @!p1 $0x1082;
	[sflag:s4] =	ssyncset.s32 $0xFFFFF086  }
0x25: {  	[simem:s6], [sflag:s4] =	dma.local [hbm:s3], $0xF7A  }
0x26: {  	[smem:$0x3F9C] =	sst s1;
	(tag) =	ssettag s2;
	_ =	strace s9  }
0x27: {  	s1 =	sld [smem:$0x3FAC]  }
0x28: {  	s2 =	sld [smem:$0x3FAD]  }
0x29: {  	s4 =	sld [smem:$0x3FAF]  }
0x2a: {  	p0 =	seq.s32 s5, $0x0;
	s5 =	sld [smem:$0x3FB0]  }
0x2b: {  	s6 =	sld [smem:$0x3FB1]  }
0x2c: {  	s7 =	sld [smem:$0x3FB2]  }
0x2d: {  	s3 =	simm.s32 $0x108;
	s8 =	sld [smem:$0x3FB3]  }
0x2e: {  	s3 =	simm.s32 @!p0 $0x1082;
	s9 =	sld [smem:$0x3FB4]  }
0x2f: {  	lr =	sadd.s32 s0, s3;
	s0 =	sld [smem:$0x3FAB]  }
0x30: {  	s3 =	sld [smem:$0x3FAE]  }
0x31: {  	[smem:$0x3FB7] =	sst s10  }
0x32: {  	s10 =	sld [smem:$0x3FB5];
	_ =	sdelay $0x3  }
0x33: {  	p0 =	seq.s32 s10, $0x1;
	s10 =	sld [smem:$0x3FB7];
	_ =	sdelay $0x3  }
0x34: {  	[smem:$0x3FB7] =	sst s10  }
0x35: {  	s10 =	sld [smem:$0x3FB6];
	_ =	sdelay $0x3  }
0x36: {  	p1 =	seq.s32 s10, $0x1;
	s10 =	sld [smem:$0x3FB7];
	_ =	sdelay $0x3  }
0x37: {  	[smem:$0x3FB7] =	sst s10  }
0x38: {  	s10 =	sld [smem:$0x3FB8]  }
0x39: {  	_ = 	snop;
	(pc) =	sbr.ind lr, $3  }
0x3a: {  	_ = 	snop  }
0x3b: {  	_ = 	snop  }
0x3c: {  	p2 =	seq.s32 s10, $0x1;
	s10 =	sld [smem:$0x3FB7]  }
0x3d: {  	_ =	shalt  }
0x3e: {  	_ =	shalt  }
0x3f: {  	_ =	shalt  }
0x40: {  	_ =	shalt  }
0x41: {  	_ =	shalt  }
0x42: {  	_ =	shalt  }
0x43: {  	_ =	shalt  }
0x44: {  	_ =	shalt  }
0x45: {  	_ =	shalt  }
0x46: {  	_ =	shalt  }
0x47: {  	_ =	shalt  }
0x48: {  	_ =	shalt  }
0x49: {  	_ =	shalt  }
0x4a: {  	_ =	shalt  }
0x4b: {  	_ =	shalt  }
0x4c: {  	_ =	shalt  }
0x4d: {  	_ =	shalt  }
0x4e: {  	_ =	shalt  }
0x4f: {  	_ =	shalt  }
0x50: {  	_ =	shalt  }
0x51: {  	_ =	shalt  }
0x52: {  	_ =	shalt  }
0x53: {  	_ =	shalt  }
0x54: {  	_ =	shalt  }
0x55: {  	_ =	shalt  }
0x56: {  	_ =	shalt  }
0x57: {  	_ =	shalt  }
0x58: {  	_ =	shalt  }
0x59: {  	_ =	shalt  }
0x5a: {  	_ =	shalt  }
0x5b: {  	_ =	shalt  }
0x5c: {  	_ =	shalt  }
0x5d: {  	_ =	shalt  }
0x5e: {  	_ =	shalt  }
0x5f: {  	_ =	shalt  }
0x60: {  	_ =	shalt  }
0x61: {  	_ =	shalt  }
0x62: {  	_ =	shalt  }
0x63: {  	_ =	shalt  }
0x64: {  	_ =	shalt  }
0x65: {  	_ =	shalt  }
0x66: {  	_ =	shalt  }
0x67: {  	_ =	shalt  }
0x68: {  	_ =	shalt  }
0x69: {  	_ =	shalt  }
0x6a: {  	_ =	shalt  }
0x6b: {  	_ =	shalt  }
0x6c: {  	_ =	shalt  }
0x6d: {  	_ =	shalt  }
0x6e: {  	_ =	shalt  }
0x6f: {  	_ =	shalt  }
0x70: {  	_ =	shalt  }
0x71: {  	_ =	shalt  }
0x72: {  	_ =	shalt  }
0x73: {  	_ =	shalt  }
0x74: {  	_ =	shalt  }
0x75: {  	_ =	shalt  }
0x76: {  	_ =	shalt  }
0x77: {  	_ =	shalt  }
0x78: {  	_ =	shalt  }
0x79: {  	_ =	shalt  }
0x7a: {  	_ =	shalt  }
0x7b: {  	_ =	shalt  }
0x7c: {  	_ =	shalt  }
0x7d: {  	_ =	shalt  }
0x7e: {  	_ =	shalt  }
0x7f: {  	_ =	shalt  }
0x80: {  	_ =	shalt  }
0x81: {  	_ =	shalt  }
0x82: {  	_ =	shalt  }
0x83: {  	_ =	shalt  }
0x84: {  	_ =	shalt  }
0x85: {  	_ =	shalt  }
0x86: {  	_ =	shalt  }
0x87: {  	_ =	shalt  }
.Lfunc_end0:
.L_simem_size_0:
called_computation_lowered:
.L_overlay_start_0:
0x88: {  	s2 =	sld [smem:$0x3FD9]  }
0x89: {  	s3 =	sld [smem:$0x3FFE];
	_ =	sdelay $0x1  }
0x8a: {  	s1 =	srdreg.scid  }
0x8b: {  	s0 =	sand.u32 $0x1, s1  }
0x8c: {  	s15 =	sshll.u32 s0, $0xA;
	s2 =	sadd.s32 s3, s2  }
0x8d: {  	s2 =	sadd.s32 s2, s15  }
0x8e: {  	[smem:$0x3FC3] =	sst s2  }
0x8f: {  	_ = 	snop  }
0x90: {  	s2 =	sld [smem:$0x3FC9]  }
0x91: {  	s16 =	sld [smem:$0x3FC8]  }
0x92: {  	s4 =	sld [smem:$0x3FD0]  }
0x93: {  	s5 =	sld [smem:$0x3FC7]  }
0x94: {  	s6 =	sld [smem:$0x3FC6]  }
0x95: {  	s8 =	simm.s32 $0xA;
	s9 =	simm.s32 $0x10;
	s7 =	sld [smem:$0x3FC5]  }
0x96: {  	[smem:s9], [sflag:s8] =	dma.local [hbm:s4], $0x1  }
0x97: {  	_ =	swait.eq [sflag:s8], $0x1  }
0x98: {  	[sflag:s8] =	ssyncset.done $0x0  }
0x99: {  	s17 =	sld [smem:$0x10];
	[sflag:s8] =	ssyncadd.s32 $0xFFFFFFFF  }
0x9a: {  	s18 =	sld [smem:$0x11];
	(tm) =	ssettm $0x1  }
0x9b: {  	s19 =	sld [smem:$0x3FFB];
	_ =	sdelay $0x3  }
0x9c: {  	_ =	strace s19  }
0x9d: {  	s9 =	sld [smem:$0x3FFC];
	_ =	sdelay $0x3  }
0x9e: {  	_ =	strace s9  }
0x9f: {  	s9 =	sld [smem:$0x3FFD];
	_ =	sdelay $0x3  }
0xa0: {  	_ =	strace s9  }
0xa1: {  	_ =	strace $0x8FFFFFFF  }
0xa2: {  	s20 =	sld [smem:$0x3FDB];
	_ =	sdelay $0x1  }
0xa3: {  	s10 =	simm.s32 $_scs_section_size  }
0xa4: {  	s11 =	simm.s32 $_size__tile_overlayer_lowered;
	s12 =	simm.s32 $_tile_overlayer_lowered  }
0xa5: {  	s23 =	simm.s32 $0x1BFF;
	s22 =	sshll.u32 s12, $0x1;
	s9 =	sadd.s32 s10, s20  }
0xa6: {  	s13 =	simm.s32 $0x0;
	s21 =	sshll.u32 s11, $0x1;
	s11 =	sadd.s32 s22, s9  }
0xa7: {  	[timem:s13], [sflag:s23] =	dma.local [hbm:s11], s21  }
0xa8: {  	_ =	swait.ge [sflag:s23], s21  }
0xa9: {  	s10 =	ssub.s32 $0x0, s21;
	[sflag:s23] =	ssyncset.done $0x0  }
0xaa: {  	[sflag:s23] =	ssyncadd.s32 s10;
	_ =	sdelay $0x1  }
0xab: {  	s24 =	simm.s32 $0x1B8B  }
0xac: {  	_ =	swait.ge [sflag:s24], $0x1  }
0xad: {  	[sflag:s24] =	ssyncset.done $0x0  }
0xae: {  	s25 =	simm.s32 $0x1B8E;
	[sflag:s24] =	ssyncadd.s32 $0xFFFFFFFF  }
0xaf: {  	s26 =	simm.s32 $execute0_lowered;
	[smem:$0x3FD2] =	sst s25  }
0xb0: {  	s10 =	sshll.u32 s26, $0x1;
	_ =	strace $0x80000046;
	[dreg:$0x1] =	wrdreg $0xFFFFFFFF  }
0xb1: {  	s28 =	simm.s32 $_size_execute0_lowered;
	s9 =	sadd.s32 s9, s10;
	[dreg:$0x0] =	wrdreg $0x0  }
0xb2: {  	s10 =	sshll.u32 s28, $0x1;
	[dreg:$0x2] =	wrdreg s9  }
0xb3: {  	[dreg:$0x3] =	wrdreg s10  }
0xb4: {  	[dreg:$0x4] =	wrdreg $0xC0  }
0xb5: {  	_ =	task [dreg:s13], $0x5FFFF  }
0xb6: {  	[dreg:$0x1] =	wrdreg $0xFFFFFFFF  }
0xb7: {  	[dreg:$0x0] =	wrdreg $0x60  }
0xb8: {  	[dreg:$0x2] =	wrdreg s16  }
0xb9: {  	[dreg:$0x3] =	wrdreg s5  }
0xba: {  	[dreg:$0x4] =	wrdreg s6  }
0xbb: {  	[dreg:$0x5] =	wrdreg s2  }
0xbc: {  	[dreg:$0x6] =	wrdreg s7  }
0xbd: {  	[dreg:$0x7] =	wrdreg s17  }
0xbe: {  	[dreg:$0x8] =	wrdreg s18  }
0xbf: {  	[dreg:$0x9] =	wrdreg $0x9  }
0xc0: {  	_ =	task.clear_ibuf [dreg:s13], $0xAFFFF;
	_ =	strace $0x90000046  }
0xc1: {  	s29 =	simm.s32 $0x9;
	_ =	strace $0x80000048  }
0xc2: {  	_ =	swait.ge [sflag:s29], $0x1  }
0xc3: {  	[sflag:s29] =	ssyncadd.s32 $0xFFFFFFFF  }
0xc4: {  	_ =	strace $0x90000048  }
0xc5: {  	_ =	sfence  }
0xc6: {  	s30 =	sld [smem:$0x0];
	_ =	sdelay $0x2  }
0xc7: {  	s31 =	sshll.u32 s1, $0xD;
	s1 =	sshrl.u32 s1, $0x2  }
0xc8: {  	s3 =	sand.u32 $0x4000, s31;
	s1 =	sadd.s32 s1, s30  }
0xc9: {  	s0 =	sor.u32 s3, s0;
	s1 =	sshll.u32 s1, $0x11  }
0xca: {  	s0 =	sor.u32 s1, s0  }
0xcb: {  	s0 =	sadd.s32 $0x8F2B, s0  }
0xcc: {  	[sflag:s0] =	ssyncadd.remote.s32 $0x1  }
0xcd: {  	_ =	sfence.sel $0xFFFF  }
0xce: {  	[dreg:$0x0] =	wrdreg $0xFFFFFFFF;
	(pc) =	sbr.abs _section_cstart, $3  }
0xcf: {  	[dreg:$0x1] =	wrdreg $0xFFFFFFFF  }
0xd0: {  	_ =	task.clear_ibuf [dreg:s13], $0x2FFFF;
	_ =	strace $0x9FFFFFFF  }
0xd1: {  	(tm) =	ssettm $0x7FFFFFFF  }
tec
execute0_lowered:
.L_overlay_start_1:
0x0: {  	(tag) =	ssettag $0x1  }
0x1: {  	s0 =	rddreg [dreg:$0x0]  }
0x2: {  	s3 =	rddreg [dreg:$0x3]  }
0x3: {  	s4 =	rddreg [dreg:$0x4]  }
0x4: {  	s5 =	rddreg [dreg:$0x5]  }
0x5: {  	s7 =	rddreg [dreg:$0x6]  }
0x6: {  	s1 =	srdreg.scid;
	s8 =	simm.s32 $0x0;
	s2 =	stileid.u32  }
0x7: {  	s28 =	simm.s32 $0x880;
	s29 =	simm.s32 $0x900;
	s30 =	simm.s32 $0x10980  }
0x8: {  	s31 =	simm.s32 $0x2;
	s1 =	sand.u32 $0x1, s1;
	[smem:$0x7FF] =	sst s8  }
0x9: {  	s2 =	sshll.u32 s2, $0x7;
	s6 =	sshll.u32 s1, $0x6;
	s1 =	ssub.s32 $0x2, s1  }
0xa: {  	_ =	strace $0x80000047;
	s9 =	sor.u32 s6, s2;
	s21 =	sshrl.u32 s1, $0x1  }
0xb: {  	s2 =	simm.s32 $0x0;
	s6 =	sshrl.u32 s9, $0x3;
	s10 =	sshll.u32 s9, $0xB  }
0xc: {  	s1 =	ssub.s32 s1, s21;
	s15 =	sor.u32 $0x2, s9;
	s16 =	sor.u32 $0x3, s9  }
0xd: {  	s0 =	sadd.s32 s0, s6;
	s22 =	sor.u32 $0x800, s10;
	s23 =	sadd.s32 s3, s10  }
0xe: {  	s24 =	sadd.s32 s4, s10;
	s26 =	smax.u32 s1, $0x1;
	[dreg:$0x8] =	wrdreg s0  }
.Ltmp0:
0xf: {  	s6 =	simm.s32 $0x14980;
	[dreg:$0x9] =	wrdreg s23;
	(pc) =	sbr.rel .LBB2_1-.Ltmp0, $4  }
0x10: {  	s10 =	simm.s32 $0x8;
	[dreg:$0xa] =	wrdreg s24;
	s25 =	sadd.s32 s3, s22  }
0x11: {  	s0 =	sadd.s32 s4, s22;
	[dreg:$0xd] =	wrdreg s26;
	s22 =	simm.s32 $0x8980  }
0x12: {  	s24 =	simm.s32 $0xC980;
	s26 =	simm.s32 $0x3;
	[dreg:$0xb] =	wrdreg s25  }
0x13: {  	[dreg:$0xc] =	wrdreg s0;
	s25 =	simm.s32 $0x1;
	s0 =	simm.s32 $0x4  }
.LBB2_12:
0x14: {  	s1 =	simm.s32 $0x5  }
0x15: {  	_ =	swait.ge [sflag:s1], $0x4000  }
0x16: {  	[sflag:s1] =	ssyncset.done $0x0  }
0x17: {  	s20 =	simm.s32 $0x6;
	[sflag:s1] =	ssyncadd.s32 $0xFFFFC000  }
0x18: {  	_ =	swait.ge [sflag:s20], $0x4000  }
0x19: {  	[sflag:s20] =	ssyncset.done $0x0  }
0x1a: {  	s21 =	simm.s32 $0x7;
	[sflag:s20] =	ssyncadd.s32 $0xFFFFC000  }
0x1b: {  	_ =	swait.ge [sflag:s21], $0x4000  }
0x1c: {  	[sflag:s21] =	ssyncset.done $0x0  }
0x1d: {  	[sflag:s21] =	ssyncadd.s32 $0xFFFFC000  }
0x1e: {  	_ =	swait.ge [sflag:s10], $0x4000  }
0x1f: {  	s2 =	rddreg [dreg:$0xe]  }
0x20: {  	s23 =	rddreg [dreg:$0xd];
	s2 =	sadd.s32 $0x1, s2  }
0x21: {  	p0 =	sne.s32 s2, s23  }
.Ltmp1:
0x22: {  	_ = 	snop;
	(pc) =	sbr.rel @!p0 .LBB2_13-.Ltmp1, $3  }
0x23: {  	_ =	sdelay $0x1  }
0x24: {  	[sflag:s10] =	ssyncset.done $0x0  }
0x25: {  	[sflag:s10] =	ssyncadd.s32 $0xFFFFC000  }
.LBB2_1:
0x26: {  	[dreg:$0xe] =	wrdreg s2  }
0x27: {  	s1 =	rddreg [dreg:$0x8];
	s23 =	simm.s32 $0x9  }
0x28: {  	[tilespmem:s8], [sflag:$0x9] =	stream.linear.gather [hbm4b:s1+s8], $0x40, $0x38;
	[tilespmem:$0x18980] =	vst v63  }
0x29: {  	_ =	swait.ge [sflag:s23], $0x40  }
0x2a: {  	[sflag:s23] =	ssyncset.done $0x0  }
0x2b: {  	[sflag:s23] =	ssyncadd.s32 $0xFFFFFFC0  }
0x2c: {  	s11 =	simm.s32 $0x80;
	s13 =	rddreg [dreg:$0x1]  }
0x2d: {  	[tilespmem:s11], [sflag:$0x9] =	stream.linear.gather [hbm4b:s13+s8], $0x400, $0x38;
	[tilespmem:$0x18980] =	vst v63  }
0x2e: {  	_ =	swait.ge [sflag:s23], $0x400  }
0x2f: {  	[sflag:s23] =	ssyncset.done $0x0  }
0x30: {  	[sflag:s23] =	ssyncadd.s32 $0xFFFFFC00  }
0x31: {  	s12 =	simm.s32 $0x480;
	s14 =	rddreg [dreg:$0x2]  }
0x32: {  	[tilespmem:s12], [sflag:$0x9] =	stream.linear.gather [hbm4b:s14+s8], $0x400, $0x38;
	[tilespmem:$0x18980] =	vst v63  }
0x33: {  	_ =	swait.ge [sflag:s23], $0x400  }
0x34: {  	[sflag:s23] =	ssyncset.done $0x0  }
0x35: {  	[sflag:s23] =	ssyncadd.s32 $0xFFFFFC00  }
0x36: {  	v0 =	vld [tilespmem:$0x0];
	_ =	sdelay $0x7  }
0x37: {  	v1 =	vld.idx.msk [tilespmem:v0+s11+$0x0], $0xffff;
	_ =	sdelay $0x3  }
0x38: {  	v2 =	vld [tilespmem:$0x10]  }
0x39: {  	[tilespmem:$0x880] =	vst v1  }
0x3a: {  	v0 =	vld.idx.msk [tilespmem:v0+s12+$0x0], $0xffff;
	_ =	sdelay $0x4  }
0x3b: {  	[tilespmem:$0x900] =	vst v0  }
0x3c: {  	v0 =	vld.idx.msk [tilespmem:v2+s11+$0x0], $0xffff;
	_ =	sdelay $0x3  }
0x3d: {  	v62 =	vld [tilespmem:$0x20]  }
0x3e: {  	[tilespmem:$0x890] =	vst v0  }
0x3f: {  	v0 =	vld.idx.msk [tilespmem:v2+s12+$0x0], $0xffff;
	_ =	sdelay $0x4  }
0x40: {  	[tilespmem:$0x910] =	vst v0  }
0x41: {  	v0 =	vld.idx.msk [tilespmem:v62+s11+$0x0], $0xffff;
	_ =	sdelay $0x3  }
0x42: {  	v63 =	vld [tilespmem:$0x30]  }
0x43: {  	[tilespmem:$0x8A0] =	vst v0  }
0x44: {  	v0 =	vld.idx.msk [tilespmem:v62+s12+$0x0], $0xffff;
	_ =	sdelay $0x4  }
0x45: {  	[tilespmem:$0x920] =	vst v0  }
0x46: {  	v0 =	vld.idx.msk [tilespmem:v63+s11+$0x0], $0xffff;
	_ =	sdelay $0x4  }
0x47: {  	[tilespmem:$0x8B0] =	vst v0  }
0x48: {  	v0 =	vld.idx.msk [tilespmem:v63+s12+$0x0], $0xffff;
	_ =	sdelay $0x4  }
0x49: {  	s18 =	simm.s32 $0x980;
	s17 =	rddreg [dreg:$0x9];
	[tilespmem:$0x930] =	vst v0  }
0x4a: {  	[tilespmem:s18], [sflag:$0x1] =	stream.linear.gather [hbm4b:s17+s8], $0x4000, $0x38;
	[tilespmem:$0x18980] =	vst v63  }
0x4b: {  	s19 =	rddreg [dreg:$0xa]  }
0x4c: {  	[tilespmem:s22], [sflag:$0x3] =	stream.linear.gather [hbm4b:s19+s8], $0x4000, $0x38;
	[tilespmem:$0x18980] =	vst v63  }
0x4d: {  	s21 =	simm.s32 $0x4980;
	s20 =	rddreg [dreg:$0xb]  }
0x4e: {  	[tilespmem:s21], [sflag:$0x2] =	stream.linear.gather [hbm4b:s20+s8], $0x4000, $0x38;
	[tilespmem:$0x18980] =	vst v63  }
0x4f: {  	s23 =	rddreg [dreg:$0xc];
	s12 =	simm.s32 $0x0  }
0x50: {  	[tilespmem:s24], [sflag:$0x4] =	stream.linear.gather [hbm4b:s23+s8], $0x4000, $0x38;
	[tilespmem:$0x18980] =	vst v63  }
.LBB2_2:
0x51: {  	_ =	swait.ge [sflag:s25], $0x4000  }
0x52: {  	[sflag:s25] =	ssyncset.done $0x0  }
0x53: {  	s13 =	sshll.u32 s12, $0x1;
	[sflag:s25] =	ssyncadd.s32 $0xFFFFC000  }
0x54: {  	s1 =	sor.u32 s9, s13;
	v0 =	vmov s13;
	_ =	swait.ge [sflag:s26], $0x4000  }
0x55: {  	s17 =	sshll.u32 s1, $0xB;
	v0 =	vand.u32 $0xFFFFFFFE, v0;
	[sflag:s26] =	ssyncset.done $0x0  }
0x56: {  	p0 =	seq.s32 s12, $0x0;
	s1 =	sadd.s32 s7, s17;
	v1 =	vbroadcast v0, $0x0;
	[sflag:s26] =	ssyncadd.s32 $0xFFFFC000  }
0x57: {  	[hbm4b:s1+s8] =	stream.linear.scatter [tilespmem:s22], [sflag:$0x7], $0x4000, $0x38;
	[tilespmem:$0x18980] =	vst v63  }
0x58: {  	s1 =	simm.s32 @!p0 $0x5  }
0x59: {  	_ =	swait.ge @!p0 [sflag:s1], $0x4000  }
0x5a: {  	[sflag:s1] =	ssyncset.done @!p0 $0x0  }
0x5b: {  	[sflag:s1] =	ssyncadd.s32 @!p0 $0xFFFFC000  }
0x5c: {  	v0 =	vld.idx.msk [tilespmem:v1+s28+$0x0], $0xffff  }
0x5d: {  	v1 =	vld.idx.msk [tilespmem:v1+s29+$0x0], $0xffff;
	_ =	sdelay $0x1  }
0x5e: {  	s14 =	sshllo.u32 s12, $0x1  }
0x5f: {  	s2 =	simm.s32 $0x0;
	s21 =	simm.s32 $0x0;
	s1 =	simm.s32 $0x0  }
.LBB2_3:
0x60: {  	s11 =	sshll.u32 s2, $0x2;
	s18 =	sand.u32 $0x7, s1  }
0x61: {  	s11 =	sand.u32 $0xFFFFC000, s11;
	s18 =	sshll.u32 s18, $0x9  }
0x62: {  	s11 =	sor.u32 s18, s11  }
0x63: {  	s11 =	sshrl.u32 s11, $0x2  }
0x64: {  	s23 =	sadd.s32 $0x9C0, s11  }
0x65: {  	s19 =	sadd.s32 $0x89C0, s11;
	v2 =	vld [tilespmem:s23+$0x30]  }
0x66: {  	v3 =	vld [tilespmem:s19+$0x30]  }
0x67: {  	v5 =	vld [tilespmem:s19+$0xFFFFFFC0]  }
0x68: {  	v4 =	vld [tilespmem:s23+$0xFFFFFFD0]  }
0x69: {  	v6 =	vld [tilespmem:s19+$0xFFFFFFD0]  }
0x6a: {  	v7 =	vld [tilespmem:s23+$0xFFFFFFE0]  }
0x6b: {  	v8 =	vld [tilespmem:s19+$0xFFFFFFE0]  }
0x6c: {  	v9 =	vld [tilespmem:s23+$0xFFFFFFF0]  }
0x6d: {  	v10 =	vld [tilespmem:s19+$0xFFFFFFF0]  }
0x6e: {  	v11 =	vld [tilespmem:s23+$0x0];
	v2 =	vmul.f32 v2, v0;
	v3 =	vmul.f32 v3, v1  }
0x6f: {  	v13 =	vld [tilespmem:s19+$0x0];
	v12 =	vmul.f32 v4, v0;
	v6 =	vmul.f32 v6, v1  }
0x70: {  	v7 =	vmul.f32 v7, v0;
	v8 =	vmul.f32 v8, v1;
	v4 =	vld [tilespmem:s23+$0x10];
	v2 =	vadd.f32 v3, v2  }
0x71: {  	s20 =	sadd.s32 $0x109C0, s11;
	v12 =	vadd.f32 v6, v12;
	v3 =	vld [tilespmem:s19+$0x10]  }
0x72: {  	v9 =	vmul.f32 v9, v0;
	v10 =	vmul.f32 v10, v1;
	v14 =	vadd.f32 v8, v7;
	v6 =	vld [tilespmem:s23+$0x20];
	[tilespmem:s20+$0x30] =	vst v2  }
0x73: {  	v7 =	vld [tilespmem:s19+$0x20];
	v8 =	vmul.f32 v11, v0;
	[tilespmem:s20+$0xFFFFFFD0] =	vst v12  }
0x74: {  	s18 =	simm.s32 $0x0;
	s11 =	sadd.s32 $0x400, s23;
	v9 =	vadd.f32 v10, v9;
	v10 =	vmul.f32 v13, v1;
	v2 =	vmul.f32 v5, v1;
	v5 =	vld [tilespmem:s23+$0xFFFFFFC0];
	[tilespmem:s20+$0xFFFFFFE0] =	vst v14  }
.LBB2_4:
0x75: {  	v11 =	vld [tilespmem:s11+$0x30];
	v4 =	vmul.f32 v4, v0;
	s19 =	sadd.s32 $0x400, s19  }
0x76: {  	s18 =	sadd.s32 $0x8, s18;
	v12 =	vld [tilespmem:s19+$0x30];
	[tilespmem:s20+$0xFFFFFFF0] =	vst v9;
	v8 =	vadd.f32 v10, v8;
	v3 =	vmul.f32 v3, v1  }
0x77: {  	p1 =	slt.u32 s18, $0x18;
	v9 =	vld [tilespmem:s19+$0xFFFFFFC0];
	v6 =	vmul.f32 v6, v0  }
0x78: {  	v10 =	vld [tilespmem:s11+$0xFFFFFFD0];
	[tilespmem:s20+$0x0] =	vst v8;
	v3 =	vadd.f32 v3, v4;
	v4 =	vmul.f32 v7, v1  }
0x79: {  	v7 =	vld [tilespmem:s19+$0xFFFFFFD0];
	v5 =	vmul.f32 v5, v0  }
0x7a: {  	v8 =	vld [tilespmem:s11+$0xFFFFFFE0];
	[tilespmem:s20+$0x10] =	vst v3;
	v3 =	vadd.f32 v4, v6  }
0x7b: {  	v6 =	vmul.f32 v11, v0;
	v4 =	vld [tilespmem:s19+$0xFFFFFFE0];
	v11 =	vmul.f32 v12, v1;
	v5 =	vadd.f32 v2, v5  }
0x7c: {  	v2 =	vmul.f32 v9, v1;
	v9 =	vld [tilespmem:s11+$0xFFFFFFF0];
	[tilespmem:s20+$0x20] =	vst v3  }
0x7d: {  	v3 =	vmul.f32 v10, v0;
	v10 =	vld [tilespmem:s19+$0xFFFFFFF0];
	v6 =	vadd.f32 v11, v6;
	[tilespmem:s20+$0xFFFFFFC0] =	vst v5  }
0x7e: {  	s20 =	sadd.s32 $0x400, s20;
	v5 =	vmul.f32 v7, v1;
	v7 =	vld [tilespmem:s11+$0x0]  }
0x7f: {  	v8 =	vmul.f32 v8, v0;
	v11 =	vld [tilespmem:s19+$0x0];
	[tilespmem:s20+$0x30] =	vst v6  }
.Ltmp2:
0x80: {  	v5 =	vadd.f32 v5, v3;
	v6 =	vmul.f32 v4, v1;
	v4 =	vld [tilespmem:s11+$0x10];
	(pc) =	sbr.rel @p1 .LBB2_4-.Ltmp2, $4  }
0x81: {  	v9 =	vmul.f32 v9, v0;
	v3 =	vld [tilespmem:s19+$0x10]  }
0x82: {  	[tilespmem:s20+$0xFFFFFFD0] =	vst v5;
	v12 =	vadd.f32 v6, v8;
	v10 =	vmul.f32 v10, v1;
	v6 =	vld [tilespmem:s11+$0x20]  }
0x83: {  	v8 =	vmul.f32 v7, v0;
	v7 =	vld [tilespmem:s19+$0x20]  }
0x84: {  	v5 =	vld [tilespmem:s11+$0xFFFFFFC0];
	[tilespmem:s20+$0xFFFFFFE0] =	vst v12;
	v9 =	vadd.f32 v10, v9;
	v10 =	vmul.f32 v11, v1;
	s11 =	sadd.s32 $0x400, s11  }
0x85: {  	_ =	sdelay $0x1  }
0x86: {  	v4 =	vmul.f32 v4, v0;
	s21 =	sadd.s32 $0x1, s21;
	v3 =	vmul.f32 v3, v1  }
0x87: {  	v8 =	vadd.f32 v10, v8;
	p1 =	sne.s32 s21, $0x20;
	v6 =	vmul.f32 v6, v0;
	v7 =	vmul.f32 v7, v1  }
.Ltmp3:
0x88: {  	[tilespmem:s20+$0xFFFFFFF0] =	vst v9;
	v3 =	vadd.f32 v3, v4;
	v62 =	vmul.f32 v5, v0;
	(pc) =	sbr.rel @p1 .LBB2_3-.Ltmp3, $4  }
0x89: {  	[tilespmem:s20+$0x0] =	vst v8;
	v63 =	vadd.f32 v7, v6  }
0x8a: {  	[tilespmem:s20+$0x10] =	vst v3;
	v2 =	vadd.f32 v2, v62  }
0x8b: {  	[tilespmem:s20+$0x20] =	vst v63  }
0x8c: {  	s2 =	sadd.s32 $0x200, s2;
	s1 =	sadd.s32 $0x1, s1;
	[tilespmem:s20+$0xFFFFFFC0] =	vst v2  }
0x8d: {  	s1 =	sadd.s32 s5, s17;
	p1 =	seq.s32 s12, $0x1F  }
0x8e: {  	[hbm4b:s1+s8] =	stream.linear.scatter [tilespmem:s30], [sflag:$0x5], $0x4000, $0x38;
	[tilespmem:$0x18980] =	vst v63  }
0x8f: {  	s1 =	simm.s32 @!p1 $0x7  }
0x90: {  	_ =	swait.ge @!p1 [sflag:s1], $0x4000  }
0x91: {  	s2 =	sadd.s32 @!p1 s13, s15;
	[sflag:s1] =	ssyncset.done @!p1 $0x0  }
0x92: {  	[sflag:s1] =	ssyncadd.s32 @!p1 $0xFFFFC000;
	s1 =	sshll.u32 @!p1 s2, $0xB  }
0x93: {  	s11 =	simm.s32 @!p1 $0x0;
	s17 =	simm.s32 @!p1 $0x980;
	s2 =	sadd.s32 @!p1 s3, s1  }
0x94: {  	[tilespmem:s17], [sflag:$0x1] =	stream.linear.gather @!p1 [hbm4b:s2+s11], $0x4000, $0x38;
	[tilespmem:$0x18980] =	vst v63  }
0x95: {  	s1 =	sadd.s32 @!p1 s4, s1;
	s2 =	simm.s32 @!p1 $0x8980  }
0x96: {  	[tilespmem:s2], [sflag:$0x3] =	stream.linear.gather @!p1 [hbm4b:s1+s11], $0x4000, $0x38;
	[tilespmem:$0x18980] =	vst v63  }
0x97: {  	_ =	swait.ge [sflag:s31], $0x4000  }
0x98: {  	[sflag:s31] =	ssyncset.done $0x0  }
0x99: {  	[sflag:s31] =	ssyncadd.s32 $0xFFFFC000  }
0x9a: {  	s23 =	sor.u32 s9, s14;
	_ =	swait.ge [sflag:s0], $0x4000  }
0x9b: {  	s17 =	sshll.u32 s23, $0xB;
	[sflag:s0] =	ssyncset.done $0x0  }
0x9c: {  	s1 =	sadd.s32 s7, s17;
	[sflag:s0] =	ssyncadd.s32 $0xFFFFC000  }
0x9d: {  	v1 =	vmov s14;
	[hbm4b:s1+s8] =	stream.linear.scatter [tilespmem:s24], [sflag:$0x8], $0x4000, $0x38;
	[tilespmem:$0x18980] =	vst v63  }
0x9e: {  	s1 =	simm.s32 @!p0 $0x6  }
0x9f: {  	_ =	swait.ge @!p0 [sflag:s1], $0x4000  }
0xa0: {  	[sflag:s1] =	ssyncset.done @!p0 $0x0  }
0xa1: {  	[sflag:s1] =	ssyncadd.s32 @!p0 $0xFFFFC000  }
0xa2: {  	v0 =	vld.idx.msk [tilespmem:v1+s28+$0x0], $0xffff  }
0xa3: {  	v1 =	vld.idx.msk [tilespmem:v1+s29+$0x0], $0xffff;
	_ =	sdelay $0x2  }
0xa4: {  	s14 =	simm.s32 $0x0;
	s2 =	simm.s32 $0x0;
	s1 =	simm.s32 $0x0  }
.LBB2_7:
0xa5: {  	s11 =	sshll.u32 s2, $0x2;
	s18 =	sand.u32 $0x7, s1  }
0xa6: {  	s11 =	sand.u32 $0xFFFFC000, s11;
	s18 =	sshll.u32 s18, $0x9  }
0xa7: {  	s11 =	sor.u32 s18, s11  }
0xa8: {  	s11 =	sshrl.u32 s11, $0x2  }
0xa9: {  	s21 =	sadd.s32 $0x49C0, s11  }
0xaa: {  	s19 =	sadd.s32 $0xC9C0, s11;
	v2 =	vld [tilespmem:s21+$0x30]  }
0xab: {  	v3 =	vld [tilespmem:s19+$0x30]  }
0xac: {  	v5 =	vld [tilespmem:s19+$0xFFFFFFC0]  }
0xad: {  	v4 =	vld [tilespmem:s21+$0xFFFFFFD0]  }
0xae: {  	v6 =	vld [tilespmem:s19+$0xFFFFFFD0]  }
0xaf: {  	v7 =	vld [tilespmem:s21+$0xFFFFFFE0]  }
0xb0: {  	v8 =	vld [tilespmem:s19+$0xFFFFFFE0]  }
0xb1: {  	v9 =	vld [tilespmem:s21+$0xFFFFFFF0]  }
0xb2: {  	v10 =	vld [tilespmem:s19+$0xFFFFFFF0]  }
0xb3: {  	v11 =	vld [tilespmem:s21+$0x0];
	v2 =	vmul.f32 v2, v0;
	v3 =	vmul.f32 v3, v1  }
0xb4: {  	v13 =	vld [tilespmem:s19+$0x0];
	v12 =	vmul.f32 v4, v0;
	v6 =	vmul.f32 v6, v1  }
0xb5: {  	v7 =	vmul.f32 v7, v0;
	v8 =	vmul.f32 v8, v1;
	v4 =	vld [tilespmem:s21+$0x10];
	v2 =	vadd.f32 v3, v2  }
0xb6: {  	s20 =	sadd.s32 $0x149C0, s11;
	v12 =	vadd.f32 v6, v12;
	v3 =	vld [tilespmem:s19+$0x10]  }
0xb7: {  	v9 =	vmul.f32 v9, v0;
	v10 =	vmul.f32 v10, v1;
	v14 =	vadd.f32 v8, v7;
	v6 =	vld [tilespmem:s21+$0x20];
	[tilespmem:s20+$0x30] =	vst v2  }
0xb8: {  	v7 =	vld [tilespmem:s19+$0x20];
	v8 =	vmul.f32 v11, v0;
	[tilespmem:s20+$0xFFFFFFD0] =	vst v12  }
0xb9: {  	s18 =	simm.s32 $0x0;
	s11 =	sadd.s32 $0x400, s21;
	v9 =	vadd.f32 v10, v9;
	v10 =	vmul.f32 v13, v1;
	v2 =	vmul.f32 v5, v1;
	v5 =	vld [tilespmem:s21+$0xFFFFFFC0];
	[tilespmem:s20+$0xFFFFFFE0] =	vst v14  }
.LBB2_8:
0xba: {  	v11 =	vld [tilespmem:s11+$0x30];
	v4 =	vmul.f32 v4, v0;
	s19 =	sadd.s32 $0x400, s19  }
0xbb: {  	s18 =	sadd.s32 $0x8, s18;
	v12 =	vld [tilespmem:s19+$0x30];
	[tilespmem:s20+$0xFFFFFFF0] =	vst v9;
	v8 =	vadd.f32 v10, v8;
	v3 =	vmul.f32 v3, v1  }
0xbc: {  	p0 =	slt.u32 s18, $0x18;
	v9 =	vld [tilespmem:s19+$0xFFFFFFC0];
	v6 =	vmul.f32 v6, v0  }
0xbd: {  	v10 =	vld [tilespmem:s11+$0xFFFFFFD0];
	[tilespmem:s20+$0x0] =	vst v8;
	v3 =	vadd.f32 v3, v4;
	v4 =	vmul.f32 v7, v1  }
0xbe: {  	v7 =	vld [tilespmem:s19+$0xFFFFFFD0];
	v5 =	vmul.f32 v5, v0  }
0xbf: {  	v8 =	vld [tilespmem:s11+$0xFFFFFFE0];
	[tilespmem:s20+$0x10] =	vst v3;
	v3 =	vadd.f32 v4, v6  }
0xc0: {  	v6 =	vmul.f32 v11, v0;
	v4 =	vld [tilespmem:s19+$0xFFFFFFE0];
	v11 =	vmul.f32 v12, v1;
	v5 =	vadd.f32 v2, v5  }
0xc1: {  	v2 =	vmul.f32 v9, v1;
	v9 =	vld [tilespmem:s11+$0xFFFFFFF0];
	[tilespmem:s20+$0x20] =	vst v3  }
0xc2: {  	v3 =	vmul.f32 v10, v0;
	v10 =	vld [tilespmem:s19+$0xFFFFFFF0];
	v6 =	vadd.f32 v11, v6;
	[tilespmem:s20+$0xFFFFFFC0] =	vst v5  }
0xc3: {  	s20 =	sadd.s32 $0x400, s20;
	v5 =	vmul.f32 v7, v1;
	v7 =	vld [tilespmem:s11+$0x0]  }
0xc4: {  	v8 =	vmul.f32 v8, v0;
	v11 =	vld [tilespmem:s19+$0x0];
	[tilespmem:s20+$0x30] =	vst v6  }
.Ltmp4:
0xc5: {  	v5 =	vadd.f32 v5, v3;
	v6 =	vmul.f32 v4, v1;
	v4 =	vld [tilespmem:s11+$0x10];
	(pc) =	sbr.rel @p0 .LBB2_8-.Ltmp4, $4  }
0xc6: {  	v9 =	vmul.f32 v9, v0;
	v3 =	vld [tilespmem:s19+$0x10]  }
0xc7: {  	[tilespmem:s20+$0xFFFFFFD0] =	vst v5;
	v12 =	vadd.f32 v6, v8;
	v10 =	vmul.f32 v10, v1;
	v6 =	vld [tilespmem:s11+$0x20]  }
0xc8: {  	v8 =	vmul.f32 v7, v0;
	v7 =	vld [tilespmem:s19+$0x20]  }
0xc9: {  	v5 =	vld [tilespmem:s11+$0xFFFFFFC0];
	[tilespmem:s20+$0xFFFFFFE0] =	vst v12;
	v9 =	vadd.f32 v10, v9;
	v10 =	vmul.f32 v11, v1;
	s11 =	sadd.s32 $0x400, s11  }
0xca: {  	_ =	sdelay $0x1  }
0xcb: {  	v4 =	vmul.f32 v4, v0;
	s14 =	sadd.s32 $0x1, s14;
	v3 =	vmul.f32 v3, v1  }
0xcc: {  	v8 =	vadd.f32 v10, v8;
	p0 =	sne.s32 s14, $0x20;
	v6 =	vmul.f32 v6, v0;
	v7 =	vmul.f32 v7, v1  }
.Ltmp5:
0xcd: {  	[tilespmem:s20+$0xFFFFFFF0] =	vst v9;
	v3 =	vadd.f32 v3, v4;
	v62 =	vmul.f32 v5, v0;
	(pc) =	sbr.rel @p0 .LBB2_7-.Ltmp5, $4  }
0xce: {  	[tilespmem:s20+$0x0] =	vst v8;
	v63 =	vadd.f32 v7, v6  }
0xcf: {  	[tilespmem:s20+$0x10] =	vst v3;
	v2 =	vadd.f32 v2, v62  }
0xd0: {  	[tilespmem:s20+$0x20] =	vst v63  }
0xd1: {  	s2 =	sadd.s32 $0x200, s2;
	s1 =	sadd.s32 $0x1, s1;
	[tilespmem:s20+$0xFFFFFFC0] =	vst v2  }
.Ltmp6:
0xd2: {  	(pc) =	sbr.rel @p1 .LBB2_12-.Ltmp6, $3  }
0xd3: {  	_ =	sdelay $0x1  }
0xd4: {  	s1 =	sadd.s32 s5, s17  }
0xd5: {  	[hbm4b:s1+s8] =	stream.linear.scatter [tilespmem:s6], [sflag:$0x6], $0x4000, $0x38;
	[tilespmem:$0x18980] =	vst v63  }
0xd6: {  	_ =	swait.ge [sflag:s10], $0x4000;
	s1 =	sadd.s32 s13, s16  }
.Ltmp7:
0xd7: {  	[sflag:s10] =	ssyncset.done $0x0;
	s1 =	sshll.u32 s1, $0xB;
	(pc) =	sbr.rel .LBB2_2-.Ltmp7, $4  }
0xd8: {  	s11 =	simm.s32 $0x4980;
	[sflag:s10] =	ssyncadd.s32 $0xFFFFC000;
	s2 =	sadd.s32 s3, s1  }
0xd9: {  	[tilespmem:s11], [sflag:$0x2] =	stream.linear.gather [hbm4b:s2+s8], $0x4000, $0x38;
	[tilespmem:$0x18980] =	vst v63  }
0xda: {  	s12 =	sadd.s32 $0x1, s12;
	s1 =	sadd.s32 s4, s1  }
0xdb: {  	[tilespmem:s24], [sflag:$0x4] =	stream.linear.gather [hbm4b:s1+s8], $0x4000, $0x38;
	[tilespmem:$0x18980] =	vst v63  }
.LBB2_13:
0xdc: {  	_ =	sfence.sel $0x180000  }
0xdd: {  	[bflag:$0x0] =	sbarrier.arrive $0xFFFF  }
0xde: {  	_ =	strace $0x90000047  }
0xdf: {  	s0 =	stileid.u32;
	[bflag:$0x2] =	sbarrier.arrive $0xFFFF  }
0xe0: {  	p0 =	sne.s32 s0, $0x0;
	s0 =	rddreg [dreg:$0x7]  }
0xe1: {  	s0 =	sadd.s32 @!p0 $0x100000, s0  }
0xe2: {  	[sflag:s0] =	ssyncadd.tile.s32 @!p0 $0x1;
	_ =	shalt  }
.Lfunc_end2:
_tile_overlayer_lowered:
.L_overlay_start_2:
0xe3: {  	(tag) =	ssettag $0x2  }
0xe4: {  	s0 =	rddreg [dreg:$0x0];
	s2 =	stileid.u32  }
0xe5: {  	s1 =	rddreg [dreg:$0x1];
	p0 =	sne.s32 s2, $0x0  }
0xe6: {  	s3 =	rddreg [dreg:$0x2];
	[bflag:$0x3] =	sbarrier.arrive $0xFFFF;
	s2 =	simm.s32 @!p0 $0x1C09  }
0xe7: {  	[timem:s3], [sflag:s2] =	dma.local @!p0 [hbm:s0], s1  }
0xe8: {  	s0 =	simm.s32 @!p0 $0x9  }
0xe9: {  	_ =	swait.ge @!p0 [sflag:s0], s1  }
0xea: {  	s1 =	ssub.s32 @!p0 $0x0, s1;
	[sflag:s0] =	ssyncset.done @!p0 $0x0  }
0xeb: {  	[sflag:s0] =	ssyncadd.s32 @!p0 s1  }
0xec: {  	[bflag:$0x3] =	sbarrier.arrive $0xFFFF  }
0xed: {  	_ =	shalt  }

</sc_bundles>
